<compile_context>
chip_gen: v7x
topology: tpu7x:2x2x1
jax: 0.10.2.dev20260603
libtpu: 0.0.44.dev20260713+nightly
codegen_flags: <defaults>
</compile_context>

<pallas_src>
import functools

import jax
import jax.numpy as jnp
from jax import lax
from jax.experimental import pallas as pl
from jax.experimental.pallas import tpu as pltpu
from jax.experimental.pallas import tpu_sc as plsc

_EMB = 64
_SCALE = _EMB ** (-0.5)
_NW = 32
_LANES = 16
_NBUF = 4
_CHUNK = 128


def _sc_embed(x2d, table_pad):
    n_rows = x2d.shape[0]
    n_chunks = n_rows // _NW
    total = n_rows * _CHUNK
    mesh = plsc.VectorSubcoreMesh(core_axis_name="c", subcore_axis_name="s")
    n_main = n_chunks - _NBUF

    @functools.partial(
        pl.kernel,
        mesh=mesh,
        out_type=jax.ShapeDtypeStruct((total, 128), jnp.float32),
        scratch_types=[
            pltpu.VMEM((n_chunks, _CHUNK), jnp.int32),
            pltpu.VMEM((_NBUF, _CHUNK, 128), jnp.float32),
        ]
        + [pltpu.SemaphoreType.DMA] * (2 * _NBUF),
    )
    def k(x_hbm, table_hbm, out_hbm, idx_v, rows_v, *sems):
        g_sem = sems[:_NBUF]
        o_sem = sems[_NBUF:]
        wid = lax.axis_index("s") * 2 + lax.axis_index("c")
        row0 = wid * n_chunks
        pltpu.sync_copy(x_hbm.at[pl.ds(row0, n_chunks)], idx_v)
        out0 = wid * n_chunks * _CHUNK

        def start_gather(c, b):
            pltpu.async_copy(table_hbm.at[idx_v.at[c]], rows_v.at[b],
                             g_sem[b])

        def wait_gather(b):
            pltpu.make_async_copy(table_hbm.at[pl.ds(0, _CHUNK)],
                                  rows_v.at[b], g_sem[b]).wait()

        def scale(b):
            @plsc.parallel_loop(0, _CHUNK, step=1, unroll=4)
            def _scale_row(r):
                for kk in range(_EMB // _LANES):
                    sl = pl.ds(kk * _LANES, _LANES)
                    rows_v[b, r, sl] = rows_v[b, r, sl] * _SCALE

        def start_out(c, b):
            pltpu.async_copy(rows_v.at[b],
                             out_hbm.at[pl.ds(out0 + c * _CHUNK, _CHUNK)],
                             o_sem[b])

        def wait_out(b):
            pltpu.make_async_copy(rows_v.at[b],
                                  out_hbm.at[pl.ds(0, _CHUNK)],
                                  o_sem[b]).wait()

        for b in range(_NBUF):
            start_gather(b, b)

        def main_body(g, carry):
            c0 = g * _NBUF
            for b in range(_NBUF):
                c = c0 + b
                wait_gather(b)
                scale(b)
                start_out(c, b)
                wait_out(b)
                start_gather(c + _NBUF, b)
            return carry

        lax.fori_loop(0, n_main // _NBUF, main_body, 0)

        for b in range(_NBUF):
            c = n_main + b
            wait_gather(b)
            scale(b)
            start_out(c, b)
        for b in range(_NBUF):
            wait_out(b)

    return k(x2d, table_pad)


def kernel(x, table):
    B, T = x.shape
    n_tok = B * T
    x2d = x.reshape(n_tok // _CHUNK, _CHUNK).astype(jnp.int32)
    table_pad = lax.optimization_barrier(
        jnp.pad(table, ((0, 0), (0, 128 - _EMB))))
    out = _sc_embed(x2d, table_pad)
    return out[:, :_EMB].reshape(B, T, _EMB)

# --- scband reference (transcript-rebuilt; emitter-appended) ---
"""Pipeline reference for scband-embedding-3848290697304 (READ-ONLY COPY).

The authoritative reference and input builder live on the scoring server;
editing this copy changes nothing except your own understanding.
"""

import jax, jax.numpy as jnp
import numpy as np

VOCAB = 1000000
EMB = 64

def setup_inputs(seed: int = 0) -> dict:
    key = jax.random.key(seed)
    k1, k2 = jax.random.split(key)
    x = jax.random.randint(k1, (4096, 200), 0, VOCAB, dtype=jnp.int64 if jax.config.jax_enable_x64 else jnp.int32)
    table = jax.random.normal(k2, (VOCAB, EMB), dtype=jnp.float32)
    return {"x": x, "table": table}

def reference(x, table):
    # Embedding.forward: scale_factor * self.embedding(x)
    scale = EMB ** (-0.5)
    emb = jnp.take(table, x, axis=0)
    return scale * emb

if __name__ == "__main__":
    import jax
    _d = setup_inputs()
    print(jax.jit(kernel)(*tuple(_d.values())))

</pallas_src>

<mosaic_0001>
#map = affine_map<(d0, d1) -> (0, 0)>
module attributes {stable_mosaic.version = 14 : i64} {
  func.func @k(%arg0: i32, %arg1: i32, %arg2: memref<6400x128xi32, #tpu.memory_space<hbm>>, %arg3: memref<1000000x128xf32, #tpu.memory_space<hbm>>, %arg4: memref<819200x128xf32, #tpu.memory_space<hbm>>, %arg5: memref<200x128xi32, #tpu.memory_space<vmem>>, %arg6: memref<4x128x128xf32, #tpu.memory_space<vmem>>, %arg7: memref<!tpu.dma_semaphore, #tpu.memory_space<semaphore_mem>>, %arg8: memref<!tpu.dma_semaphore, #tpu.memory_space<semaphore_mem>>, %arg9: memref<!tpu.dma_semaphore, #tpu.memory_space<semaphore_mem>>, %arg10: memref<!tpu.dma_semaphore, #tpu.memory_space<semaphore_mem>>, %arg11: memref<!tpu.dma_semaphore, #tpu.memory_space<semaphore_mem>>, %arg12: memref<!tpu.dma_semaphore, #tpu.memory_space<semaphore_mem>>, %arg13: memref<!tpu.dma_semaphore, #tpu.memory_space<semaphore_mem>>, %arg14: memref<!tpu.dma_semaphore, #tpu.memory_space<semaphore_mem>>) attributes {dimension_semantics = [#tpu.dimension_semantics<core_parallel>, #tpu.dimension_semantics<subcore_parallel>], iteration_bounds = array<i64: 2, 16>, scalar_prefetch = 0 : i64, scratch_operands = 10 : i64, tpu.core_type = #tpu.core_type<sc_vector_subcore>, window_params = [{transform_indices = #map}, {transform_indices = #map}, {transform_indices = #map}]} {
    %mul3A = arith.constant 2 : i32
    %mul3A_0 = arith.muli %arg1, %mul3A : i32
    %add3A = arith.addi %mul3A_0, %arg0 : i32
    %mul3A_1 = arith.constant 200 : i32
    %mul3A_2 = arith.muli %add3A, %mul3A_1 : i32
    "tpu.region"() ({
      %run_scoped3A = tpu.sem_alloc : memref<!tpu.dma_semaphore, #tpu.memory_space<semaphore_mem>>
      %dma_start3A_249 = arith.constant 0 : i32
      %dma_start3A_250 = tpu.memref_slice %arg2[%mul3A_2, %dma_start3A_249] : memref<6400x128xi32, #tpu.memory_space<hbm>> -> memref<200x128xi32, #tpu.memory_space<hbm>>
      %dma_start3A_251 = arith.constant 0 : i32
      %dma_start3A_252 = tpu.memref_slice %arg2[%mul3A_2, %dma_start3A_251] : memref<6400x128xi32, #tpu.memory_space<hbm>> -> memref<200x128xi32, #tpu.memory_space<hbm>>
      tpu.enqueue_dma source(%dma_start3A_252 : memref<200x128xi32, #tpu.memory_space<hbm>>) target(%arg5 : memref<200x128xi32, #tpu.memory_space<vmem>>) target_semaphore(%run_scoped3A : memref<!tpu.dma_semaphore, #tpu.memory_space<semaphore_mem>>)
      %dma_wait3A_253 = arith.constant 0 : i32
      %dma_wait3A_254 = tpu.memref_slice %arg2[%mul3A_2, %dma_wait3A_253] : memref<6400x128xi32, #tpu.memory_space<hbm>> -> memref<200x128xi32, #tpu.memory_space<hbm>>
      %dma_wait3A_255 = arith.constant 0 : i32
      %dma_wait3A_256 = tpu.memref_slice %arg2[%mul3A_2, %dma_wait3A_255] : memref<6400x128xi32, #tpu.memory_space<hbm>> -> memref<200x128xi32, #tpu.memory_space<hbm>>
      tpu.wait_dma2 semaphore(%run_scoped3A : memref<!tpu.dma_semaphore, #tpu.memory_space<semaphore_mem>>) src(%dma_wait3A_256 : memref<200x128xi32, #tpu.memory_space<hbm>>) dst(%arg5 : memref<200x128xi32, #tpu.memory_space<vmem>>)
      tpu.yield
    }) : () -> ()
    %mul3A_3 = arith.constant 200 : i32
    %mul3A_4 = arith.muli %add3A, %mul3A_3 : i32
    %mul3A_5 = arith.constant 128 : i32
    %mul3A_6 = arith.muli %mul3A_4, %mul3A_5 : i32
    %dma_start3A = arith.constant 0 : i32
    %dma_start3A_7 = arith.constant 0 : i32
    %dma_start3A_8 = arith.constant 0 : i32
    %dma_start3A_9 = arith.constant 0 : i32
    %dma_start3A_10 = tpu.memref_slice %arg6[%dma_start3A_7, %dma_start3A_8, %dma_start3A_9] : memref<4x128x128xf32, #tpu.memory_space<vmem>> -> memref<1x128x128xf32, #tpu.memory_space<vmem>>
    %dma_start3A_11 = tpu.memref_squeeze %dma_start3A_10 : memref<1x128x128xf32, #tpu.memory_space<vmem>> -> memref<128x128xf32, #tpu.memory_space<vmem>>
    %dma_start3A_12 = arith.constant 0 : i32
    %dma_start3A_13 = tpu.memref_slice %arg5[%dma_start3A, %dma_start3A_12] : memref<200x128xi32, #tpu.memory_space<vmem>> -> memref<1x128xi32, #tpu.memory_space<vmem>>
    %dma_start3A_14 = tpu.memref_squeeze %dma_start3A_13 : memref<1x128xi32, #tpu.memory_space<vmem>> -> memref<128xi32, #tpu.memory_space<vmem>>
    %dma_start3A_15 = arith.constant 0 : i32
    %dma_start3A_16 = arith.constant 0 : i32
    %dma_start3A_17 = tpu.memref_slice %arg3[%dma_start3A_15, %dma_start3A_16] : memref<1000000x128xf32, #tpu.memory_space<hbm>> -> memref<1000000x128xf32, #tpu.memory_space<hbm>>
    tpu.enqueue_indirect_dma source(%dma_start3A_17 : memref<1000000x128xf32, #tpu.memory_space<hbm>>) target(%dma_start3A_11 : memref<128x128xf32, #tpu.memory_space<vmem>>) offsets(%dma_start3A_14 : memref<128xi32, #tpu.memory_space<vmem>>) semaphore(%arg7 : memref<!tpu.dma_semaphore, #tpu.memory_space<semaphore_mem>>)
    %dma_start3A_18 = arith.constant 1 : i32
    %dma_start3A_19 = arith.constant 1 : i32
    %dma_start3A_20 = arith.constant 0 : i32
    %dma_start3A_21 = arith.constant 0 : i32
    %dma_start3A_22 = tpu.memref_slice %arg6[%dma_start3A_19, %dma_start3A_20, %dma_start3A_21] : memref<4x128x128xf32, #tpu.memory_space<vmem>> -> memref<1x128x128xf32, #tpu.memory_space<vmem>>
    %dma_start3A_23 = tpu.memref_squeeze %dma_start3A_22 : memref<1x128x128xf32, #tpu.memory_space<vmem>> -> memref<128x128xf32, #tpu.memory_space<vmem>>
    %dma_start3A_24 = arith.constant 0 : i32
    %dma_start3A_25 = tpu.memref_slice %arg5[%dma_start3A_18, %dma_start3A_24] : memref<200x128xi32, #tpu.memory_space<vmem>> -> memref<1x128xi32, #tpu.memory_space<vmem>>
    %dma_start3A_26 = tpu.memref_squeeze %dma_start3A_25 : memref<1x128xi32, #tpu.memory_space<vmem>> -> memref<128xi32, #tpu.memory_space<vmem>>
    %dma_start3A_27 = arith.constant 0 : i32
    %dma_start3A_28 = arith.constant 0 : i32
    %dma_start3A_29 = tpu.memref_slice %arg3[%dma_start3A_27, %dma_start3A_28] : memref<1000000x128xf32, #tpu.memory_space<hbm>> -> memref<1000000x128xf32, #tpu.memory_space<hbm>>
    tpu.enqueue_indirect_dma source(%dma_start3A_29 : memref<1000000x128xf32, #tpu.memory_space<hbm>>) target(%dma_start3A_23 : memref<128x128xf32, #tpu.memory_space<vmem>>) offsets(%dma_start3A_26 : memref<128xi32, #tpu.memory_space<vmem>>) semaphore(%arg8 : memref<!tpu.dma_semaphore, #tpu.memory_space<semaphore_mem>>)
    %dma_start3A_30 = arith.constant 2 : i32
    %dma_start3A_31 = arith.constant 2 : i32
    %dma_start3A_32 = arith.constant 0 : i32
    %dma_start3A_33 = arith.constant 0 : i32
    %dma_start3A_34 = tpu.memref_slice %arg6[%dma_start3A_31, %dma_start3A_32, %dma_start3A_33] : memref<4x128x128xf32, #tpu.memory_space<vmem>> -> memref<1x128x128xf32, #tpu.memory_space<vmem>>
    %dma_start3A_35 = tpu.memref_squeeze %dma_start3A_34 : memref<1x128x128xf32, #tpu.memory_space<vmem>> -> memref<128x128xf32, #tpu.memory_space<vmem>>
    %dma_start3A_36 = arith.constant 0 : i32
    %dma_start3A_37 = tpu.memref_slice %arg5[%dma_start3A_30, %dma_start3A_36] : memref<200x128xi32, #tpu.memory_space<vmem>> -> memref<1x128xi32, #tpu.memory_space<vmem>>
    %dma_start3A_38 = tpu.memref_squeeze %dma_start3A_37 : memref<1x128xi32, #tpu.memory_space<vmem>> -> memref<128xi32, #tpu.memory_space<vmem>>
    %dma_start3A_39 = arith.constant 0 : i32
    %dma_start3A_40 = arith.constant 0 : i32
    %dma_start3A_41 = tpu.memref_slice %arg3[%dma_start3A_39, %dma_start3A_40] : memref<1000000x128xf32, #tpu.memory_space<hbm>> -> memref<1000000x128xf32, #tpu.memory_space<hbm>>
    tpu.enqueue_indirect_dma source(%dma_start3A_41 : memref<1000000x128xf32, #tpu.memory_space<hbm>>) target(%dma_start3A_35 : memref<128x128xf32, #tpu.memory_space<vmem>>) offsets(%dma_start3A_38 : memref<128xi32, #tpu.memory_space<vmem>>) semaphore(%arg9 : memref<!tpu.dma_semaphore, #tpu.memory_space<semaphore_mem>>)
    %dma_start3A_42 = arith.constant 3 : i32
    %dma_start3A_43 = arith.constant 3 : i32
    %dma_start3A_44 = arith.constant 0 : i32
    %dma_start3A_45 = arith.constant 0 : i32
    %dma_start3A_46 = tpu.memref_slice %arg6[%dma_start3A_43, %dma_start3A_44, %dma_start3A_45] : memref<4x128x128xf32, #tpu.memory_space<vmem>> -> memref<1x128x128xf32, #tpu.memory_space<vmem>>
    %dma_start3A_47 = tpu.memref_squeeze %dma_start3A_46 : memref<1x128x128xf32, #tpu.memory_space<vmem>> -> memref<128x128xf32, #tpu.memory_space<vmem>>
    %dma_start3A_48 = arith.constant 0 : i32
    %dma_start3A_49 = tpu.memref_slice %arg5[%dma_start3A_42, %dma_start3A_48] : memref<200x128xi32, #tpu.memory_space<vmem>> -> memref<1x128xi32, #tpu.memory_space<vmem>>
    %dma_start3A_50 = tpu.memref_squeeze %dma_start3A_49 : memref<1x128xi32, #tpu.memory_space<vmem>> -> memref<128xi32, #tpu.memory_space<vmem>>
    %dma_start3A_51 = arith.constant 0 : i32
    %dma_start3A_52 = arith.constant 0 : i32
    %dma_start3A_53 = tpu.memref_slice %arg3[%dma_start3A_51, %dma_start3A_52] : memref<1000000x128xf32, #tpu.memory_space<hbm>> -> memref<1000000x128xf32, #tpu.memory_space<hbm>>
    tpu.enqueue_indirect_dma source(%dma_start3A_53 : memref<1000000x128xf32, #tpu.memory_space<hbm>>) target(%dma_start3A_47 : memref<128x128xf32, #tpu.memory_space<vmem>>) offsets(%dma_start3A_50 : memref<128xi32, #tpu.memory_space<vmem>>) semaphore(%arg10 : memref<!tpu.dma_semaphore, #tpu.memory_space<semaphore_mem>>)
    %scan3A = arith.constant 0 : i32
    %scan3A_54 = arith.constant 0 : i32
    %scan3A_55 = arith.constant 49 : i32
    %scan3A_56 = arith.addi %scan3A_54, %scan3A_55 : i32
    %scan3A_57 = arith.constant 1 : i32
    scf.for %scan3A_249 = %scan3A_54 to %scan3A_56 step %scan3A_57  : i32 {
      %mul3A_250 = arith.constant 4 : i32
      %mul3A_251 = arith.muli %scan3A_249, %mul3A_250 : i32
      %add3A_252 = arith.constant 0 : i32
      %add3A_253 = arith.addi %mul3A_251, %add3A_252 : i32
      %dma_wait3A_254 = arith.constant 0 : i32
      %dma_wait3A_255 = arith.constant 0 : i32
      %dma_wait3A_256 = arith.constant 0 : i32
      %dma_wait3A_257 = tpu.memref_slice %arg6[%dma_wait3A_254, %dma_wait3A_255, %dma_wait3A_256] : memref<4x128x128xf32, #tpu.memory_space<vmem>> -> memref<1x128x128xf32, #tpu.memory_space<vmem>>
      %dma_wait3A_258 = tpu.memref_squeeze %dma_wait3A_257 : memref<1x128x128xf32, #tpu.memory_space<vmem>> -> memref<128x128xf32, #tpu.memory_space<vmem>>
      %dma_wait3A_259 = arith.constant 0 : i32
      %dma_wait3A_260 = arith.constant 0 : i32
      %dma_wait3A_261 = tpu.memref_slice %arg3[%dma_wait3A_259, %dma_wait3A_260] : memref<1000000x128xf32, #tpu.memory_space<hbm>> -> memref<128x128xf32, #tpu.memory_space<hbm>>
      %dma_wait3A_262 = arith.constant 0 : i32
      %dma_wait3A_263 = arith.constant 0 : i32
      %dma_wait3A_264 = tpu.memref_slice %arg6[%dma_wait3A_254, %dma_wait3A_262, %dma_wait3A_263] : memref<4x128x128xf32, #tpu.memory_space<vmem>> -> memref<1x128x128xf32, #tpu.memory_space<vmem>>
      %dma_wait3A_265 = tpu.memref_squeeze %dma_wait3A_264 : memref<1x128x128xf32, #tpu.memory_space<vmem>> -> memref<128x128xf32, #tpu.memory_space<vmem>>
      %dma_wait3A_266 = arith.constant 0 : i32
      %dma_wait3A_267 = arith.constant 0 : i32
      %dma_wait3A_268 = tpu.memref_slice %arg3[%dma_wait3A_266, %dma_wait3A_267] : memref<1000000x128xf32, #tpu.memory_space<hbm>> -> memref<128x128xf32, #tpu.memory_space<hbm>>
      tpu.wait_dma2 semaphore(%arg7 : memref<!tpu.dma_semaphore, #tpu.memory_space<semaphore_mem>>) src(%dma_wait3A_268 : memref<128x128xf32, #tpu.memory_space<hbm>>) dst(%dma_wait3A_265 : memref<128x128xf32, #tpu.memory_space<vmem>>)
      %parallel_loop3A_269 = arith.constant 0 : i32
      %parallel_loop3A_270 = arith.constant 128 : i32
      %parallel_loop3A_271 = arith.constant 1 : i32
      scf.for %parallel_loop3A_508 = %parallel_loop3A_269 to %parallel_loop3A_270 step %parallel_loop3A_271  : i32 {
        %parallel_loop3A_509 = arith.constant 0 : i32
        %parallel_loop3A_510 = arith.index_cast %parallel_loop3A_509 : i32 to index
        %parallel_loop3A_511 = arith.index_cast %parallel_loop3A_508 : i32 to index
        %parallel_loop3A_512 = arith.constant 0 : index
        %parallel_loop3A_513 = tpu.vector_load %arg6[%parallel_loop3A_510, %parallel_loop3A_511, %parallel_loop3A_512] {strides = array<i32>} : memref<4x128x128xf32, #tpu.memory_space<vmem>>, vector<1x1x16xf32>,
        %parallel_loop3A_514 = vector.shape_cast %parallel_loop3A_513 : vector<1x1x16xf32> to vector<16xf32>
        %parallel_loop3A_515 = arith.constant 1.250000e-01 : f32
        %parallel_loop3A_516 = vector.broadcast %parallel_loop3A_515 : f32 to vector<16xf32>
        %parallel_loop3A_517 = arith.mulf %parallel_loop3A_514, %parallel_loop3A_516 : vector<16xf32>
        %parallel_loop3A_518 = arith.constant 0 : i32
        %parallel_loop3A_519 = arith.index_cast %parallel_loop3A_518 : i32 to index
        %parallel_loop3A_520 = arith.index_cast %parallel_loop3A_508 : i32 to index
        %parallel_loop3A_521 = arith.constant 0 : index
        %parallel_loop3A_522 = tpu.vector_load %arg6[%parallel_loop3A_519, %parallel_loop3A_520, %parallel_loop3A_521] {strides = array<i32>} : memref<4x128x128xf32, #tpu.memory_space<vmem>>, vector<1x1x16xf32>,
        %parallel_loop3A_523 = vector.shape_cast %parallel_loop3A_522 : vector<1x1x16xf32> to vector<16xf32>
        %parallel_loop3A_524 = vector.shape_cast %parallel_loop3A_517 : vector<16xf32> to vector<1x1x16xf32>
        tpu.vector_store %arg6[%parallel_loop3A_519, %parallel_loop3A_520, %parallel_loop3A_521], %parallel_loop3A_524 {strides = array<i32>} : memref<4x128x128xf32, #tpu.memory_space<vmem>>, vector<1x1x16xf32>,
        %parallel_loop3A_525 = arith.constant 0 : i32
        %parallel_loop3A_526 = arith.index_cast %parallel_loop3A_525 : i32 to index
        %parallel_loop3A_527 = arith.index_cast %parallel_loop3A_508 : i32 to index
        %parallel_loop3A_528 = arith.constant 16 : index
        %parallel_loop3A_529 = tpu.vector_load %arg6[%parallel_loop3A_526, %parallel_loop3A_527, %parallel_loop3A_528] {strides = array<i32>} : memref<4x128x128xf32, #tpu.memory_space<vmem>>, vector<1x1x16xf32>,
        %parallel_loop3A_530 = vector.shape_cast %parallel_loop3A_529 : vector<1x1x16xf32> to vector<16xf32>
        %parallel_loop3A_531 = arith.constant 1.250000e-01 : f32
        %parallel_loop3A_532 = vector.broadcast %parallel_loop3A_531 : f32 to vector<16xf32>
        %parallel_loop3A_533 = arith.mulf %parallel_loop3A_530, %parallel_loop3A_532 : vector<16xf32>
        %parallel_loop3A_534 = arith.constant 0 : i32
        %parallel_loop3A_535 = arith.index_cast %parallel_loop3A_534 : i32 to index
        %parallel_loop3A_536 = arith.index_cast %parallel_loop3A_508 : i32 to index
        %parallel_loop3A_537 = arith.constant 16 : index
        %parallel_loop3A_538 = tpu.vector_load %arg6[%parallel_loop3A_535, %parallel_loop3A_536, %parallel_loop3A_537] {strides = array<i32>} : memref<4x128x128xf32, #tpu.memory_space<vmem>>, vector<1x1x16xf32>,
        %parallel_loop3A_539 = vector.shape_cast %parallel_loop3A_538 : vector<1x1x16xf32> to vector<16xf32>
        %parallel_loop3A_540 = vector.shape_cast %parallel_loop3A_533 : vector<16xf32> to vector<1x1x16xf32>
        tpu.vector_store %arg6[%parallel_loop3A_535, %parallel_loop3A_536, %parallel_loop3A_537], %parallel_loop3A_540 {strides = array<i32>} : memref<4x128x128xf32, #tpu.memory_space<vmem>>, vector<1x1x16xf32>,
        %parallel_loop3A_541 = arith.constant 0 : i32
        %parallel_loop3A_542 = arith.index_cast %parallel_loop3A_541 : i32 to index
        %parallel_loop3A_543 = arith.index_cast %parallel_loop3A_508 : i32 to index
        %parallel_loop3A_544 = arith.constant 32 : index
        %parallel_loop3A_545 = tpu.vector_load %arg6[%parallel_loop3A_542, %parallel_loop3A_543, %parallel_loop3A_544] {strides = array<i32>} : memref<4x128x128xf32, #tpu.memory_space<vmem>>, vector<1x1x16xf32>,
        %parallel_loop3A_546 = vector.shape_cast %parallel_loop3A_545 : vector<1x1x16xf32> to vector<16xf32>
        %parallel_loop3A_547 = arith.constant 1.250000e-01 : f32
        %parallel_loop3A_548 = vector.broadcast %parallel_loop3A_547 : f32 to vector<16xf32>
        %parallel_loop3A_549 = arith.mulf %parallel_loop3A_546, %parallel_loop3A_548 : vector<16xf32>
        %parallel_loop3A_550 = arith.constant 0 : i32
        %parallel_loop3A_551 = arith.index_cast %parallel_loop3A_550 : i32 to index
        %parallel_loop3A_552 = arith.index_cast %parallel_loop3A_508 : i32 to index
        %parallel_loop3A_553 = arith.constant 32 : index
        %parallel_loop3A_554 = tpu.vector_load %arg6[%parallel_loop3A_551, %parallel_loop3A_552, %parallel_loop3A_553] {strides = array<i32>} : memref<4x128x128xf32, #tpu.memory_space<vmem>>, vector<1x1x16xf32>,
        %parallel_loop3A_555 = vector.shape_cast %parallel_loop3A_554 : vector<1x1x16xf32> to vector<16xf32>
        %parallel_loop3A_556 = vector.shape_cast %parallel_loop3A_549 : vector<16xf32> to vector<1x1x16xf32>
        tpu.vector_store %arg6[%parallel_loop3A_551, %parallel_loop3A_552, %parallel_loop3A_553], %parallel_loop3A_556 {strides = array<i32>} : memref<4x128x128xf32, #tpu.memory_space<vmem>>, vector<1x1x16xf32>,
        %parallel_loop3A_557 = arith.constant 0 : i32
        %parallel_loop3A_558 = arith.index_cast %parallel_loop3A_557 : i32 to index
        %parallel_loop3A_559 = arith.index_cast %parallel_loop3A_508 : i32 to index
        %parallel_loop3A_560 = arith.constant 48 : index
        %parallel_loop3A_561 = tpu.vector_load %arg6[%parallel_loop3A_558, %parallel_loop3A_559, %parallel_loop3A_560] {strides = array<i32>} : memref<4x128x128xf32, #tpu.memory_space<vmem>>, vector<1x1x16xf32>,
        %parallel_loop3A_562 = vector.shape_cast %parallel_loop3A_561 : vector<1x1x16xf32> to vector<16xf32>
        %parallel_loop3A_563 = arith.constant 1.250000e-01 : f32
        %parallel_loop3A_564 = vector.broadcast %parallel_loop3A_563 : f32 to vector<16xf32>
        %parallel_loop3A_565 = arith.mulf %parallel_loop3A_562, %parallel_loop3A_564 : vector<16xf32>
        %parallel_loop3A_566 = arith.constant 0 : i32
        %parallel_loop3A_567 = arith.index_cast %parallel_loop3A_566 : i32 to index
        %parallel_loop3A_568 = arith.index_cast %parallel_loop3A_508 : i32 to index
        %parallel_loop3A_569 = arith.constant 48 : index
        %parallel_loop3A_570 = tpu.vector_load %arg6[%parallel_loop3A_567, %parallel_loop3A_568, %parallel_loop3A_569] {strides = array<i32>} : memref<4x128x128xf32, #tpu.memory_space<vmem>>, vector<1x1x16xf32>,
        %parallel_loop3A_571 = vector.shape_cast %parallel_loop3A_570 : vector<1x1x16xf32> to vector<16xf32>
        %parallel_loop3A_572 = vector.shape_cast %parallel_loop3A_565 : vector<16xf32> to vector<1x1x16xf32>
        tpu.vector_store %arg6[%parallel_loop3A_567, %parallel_loop3A_568, %parallel_loop3A_569], %parallel_loop3A_572 {strides = array<i32>} : memref<4x128x128xf32, #tpu.memory_space<vmem>>, vector<1x1x16xf32>,
      } {sc.loop_unroll_factor = 4 : i64, sc.parallel_access}
      %mul3A_272 = arith.constant 128 : i32
      %mul3A_273 = arith.muli %add3A_253, %mul3A_272 : i32
      %add3A_274 = arith.addi %mul3A_6, %mul3A_273 : i32
      %dma_start3A_275 = arith.constant 0 : i32
      %dma_start3A_276 = arith.constant 0 : i32
      %dma_start3A_277 = arith.constant 0 : i32
      %dma_start3A_278 = tpu.memref_slice %arg6[%dma_start3A_275, %dma_start3A_276, %dma_start3A_277] : memref<4x128x128xf32, #tpu.memory_space<vmem>> -> memref<1x128x128xf32, #tpu.memory_space<vmem>>
      %dma_start3A_279 = tpu.memref_squeeze %dma_start3A_278 : memref<1x128x128xf32, #tpu.memory_space<vmem>> -> memref<128x128xf32, #tpu.memory_space<vmem>>
      %dma_start3A_280 = arith.constant 0 : i32
      %dma_start3A_281 = tpu.memref_slice %arg4[%add3A_274, %dma_start3A_280] : memref<819200x128xf32, #tpu.memory_space<hbm>> -> memref<128x128xf32, #tpu.memory_space<hbm>>
      %dma_start3A_282 = arith.constant 0 : i32
      %dma_start3A_283 = tpu.memref_slice %arg4[%add3A_274, %dma_start3A_282] : memref<819200x128xf32, #tpu.memory_space<hbm>> -> memref<128x128xf32, #tpu.memory_space<hbm>>
      %dma_start3A_284 = arith.constant 0 : i32
      %dma_start3A_285 = arith.constant 0 : i32
      %dma_start3A_286 = tpu.memref_slice %arg6[%dma_start3A_275, %dma_start3A_284, %dma_start3A_285] : memref<4x128x128xf32, #tpu.memory_space<vmem>> -> memref<1x128x128xf32, #tpu.memory_space<vmem>>
      %dma_start3A_287 = tpu.memref_squeeze %dma_start3A_286 : memref<1x128x128xf32, #tpu.memory_space<vmem>> -> memref<128x128xf32, #tpu.memory_space<vmem>>
      tpu.enqueue_dma source(%dma_start3A_287 : memref<128x128xf32, #tpu.memory_space<vmem>>) target(%dma_start3A_283 : memref<128x128xf32, #tpu.memory_space<hbm>>) target_semaphore(%arg11 : memref<!tpu.dma_semaphore, #tpu.memory_space<semaphore_mem>>)
      %dma_wait3A_288 = arith.constant 0 : i32
      %dma_wait3A_289 = arith.constant 0 : i32
      %dma_wait3A_290 = arith.constant 0 : i32
      %dma_wait3A_291 = tpu.memref_slice %arg6[%dma_wait3A_288, %dma_wait3A_289, %dma_wait3A_290] : memref<4x128x128xf32, #tpu.memory_space<vmem>> -> memref<1x128x128xf32, #tpu.memory_space<vmem>>
      %dma_wait3A_292 = tpu.memref_squeeze %dma_wait3A_291 : memref<1x128x128xf32, #tpu.memory_space<vmem>> -> memref<128x128xf32, #tpu.memory_space<vmem>>
      %dma_wait3A_293 = arith.constant 0 : i32
      %dma_wait3A_294 = arith.constant 0 : i32
      %dma_wait3A_295 = tpu.memref_slice %arg4[%dma_wait3A_293, %dma_wait3A_294] : memref<819200x128xf32, #tpu.memory_space<hbm>> -> memref<128x128xf32, #tpu.memory_space<hbm>>
      %dma_wait3A_296 = arith.constant 0 : i32
      %dma_wait3A_297 = arith.constant 0 : i32
      %dma_wait3A_298 = tpu.memref_slice %arg4[%dma_wait3A_296, %dma_wait3A_297] : memref<819200x128xf32, #tpu.memory_space<hbm>> -> memref<128x128xf32, #tpu.memory_space<hbm>>
      %dma_wait3A_299 = arith.constant 0 : i32
      %dma_wait3A_300 = arith.constant 0 : i32
      %dma_wait3A_301 = tpu.memref_slice %arg6[%dma_wait3A_288, %dma_wait3A_299, %dma_wait3A_300] : memref<4x128x128xf32, #tpu.memory_space<vmem>> -> memref<1x128x128xf32, #tpu.memory_space<vmem>>
      %dma_wait3A_302 = tpu.memref_squeeze %dma_wait3A_301 : memref<1x128x128xf32, #tpu.memory_space<vmem>> -> memref<128x128xf32, #tpu.memory_space<vmem>>
      tpu.wait_dma2 semaphore(%arg11 : memref<!tpu.dma_semaphore, #tpu.memory_space<semaphore_mem>>) src(%dma_wait3A_302 : memref<128x128xf32, #tpu.memory_space<vmem>>) dst(%dma_wait3A_298 : memref<128x128xf32, #tpu.memory_space<hbm>>)
      %add3A_303 = arith.constant 4 : i32
      %add3A_304 = arith.addi %add3A_253, %add3A_303 : i32
      %dma_start3A_305 = arith.constant 0 : i32
      %dma_start3A_306 = arith.constant 0 : i32
      %dma_start3A_307 = arith.constant 0 : i32
      %dma_start3A_308 = tpu.memref_slice %arg6[%dma_start3A_305, %dma_start3A_306, %dma_start3A_307] : memref<4x128x128xf32, #tpu.memory_space<vmem>> -> memref<1x128x128xf32, #tpu.memory_space<vmem>>
      %dma_start3A_309 = tpu.memref_squeeze %dma_start3A_308 : memref<1x128x128xf32, #tpu.memory_space<vmem>> -> memref<128x128xf32, #tpu.memory_space<vmem>>
      %dma_start3A_310 = arith.constant 0 : i32
      %dma_start3A_311 = tpu.memref_slice %arg5[%add3A_304, %dma_start3A_310] : memref<200x128xi32, #tpu.memory_space<vmem>> -> memref<1x128xi32, #tpu.memory_space<vmem>>
      %dma_start3A_312 = tpu.memref_squeeze %dma_start3A_311 : memref<1x128xi32, #tpu.memory_space<vmem>> -> memref<128xi32, #tpu.memory_space<vmem>>
      %dma_start3A_313 = arith.constant 0 : i32
      %dma_start3A_314 = arith.constant 0 : i32
      %dma_start3A_315 = tpu.memref_slice %arg3[%dma_start3A_313, %dma_start3A_314] : memref<1000000x128xf32, #tpu.memory_space<hbm>> -> memref<1000000x128xf32, #tpu.memory_space<hbm>>
      tpu.enqueue_indirect_dma source(%dma_start3A_315 : memref<1000000x128xf32, #tpu.memory_space<hbm>>) target(%dma_start3A_309 : memref<128x128xf32, #tpu.memory_space<vmem>>) offsets(%dma_start3A_312 : memref<128xi32, #tpu.memory_space<vmem>>) semaphore(%arg7 : memref<!tpu.dma_semaphore, #tpu.memory_space<semaphore_mem>>)
      %add3A_316 = arith.constant 1 : i32
      %add3A_317 = arith.addi %mul3A_251, %add3A_316 : i32
      %dma_wait3A_318 = arith.constant 1 : i32
      %dma_wait3A_319 = arith.constant 0 : i32
      %dma_wait3A_320 = arith.constant 0 : i32
      %dma_wait3A_321 = tpu.memref_slice %arg6[%dma_wait3A_318, %dma_wait3A_319, %dma_wait3A_320] : memref<4x128x128xf32, #tpu.memory_space<vmem>> -> memref<1x128x128xf32, #tpu.memory_space<vmem>>
      %dma_wait3A_322 = tpu.memref_squeeze %dma_wait3A_321 : memref<1x128x128xf32, #tpu.memory_space<vmem>> -> memref<128x128xf32, #tpu.memory_space<vmem>>
      %dma_wait3A_323 = arith.constant 0 : i32
      %dma_wait3A_324 = arith.constant 0 : i32
      %dma_wait3A_325 = tpu.memref_slice %arg3[%dma_wait3A_323, %dma_wait3A_324] : memref<1000000x128xf32, #tpu.memory_space<hbm>> -> memref<128x128xf32, #tpu.memory_space<hbm>>
      %dma_wait3A_326 = arith.constant 0 : i32
      %dma_wait3A_327 = arith.constant 0 : i32
      %dma_wait3A_328 = tpu.memref_slice %arg6[%dma_wait3A_318, %dma_wait3A_326, %dma_wait3A_327] : memref<4x128x128xf32, #tpu.memory_space<vmem>> -> memref<1x128x128xf32, #tpu.memory_space<vmem>>
      %dma_wait3A_329 = tpu.memref_squeeze %dma_wait3A_328 : memref<1x128x128xf32, #tpu.memory_space<vmem>> -> memref<128x128xf32, #tpu.memory_space<vmem>>
      %dma_wait3A_330 = arith.constant 0 : i32
      %dma_wait3A_331 = arith.constant 0 : i32
      %dma_wait3A_332 = tpu.memref_slice %arg3[%dma_wait3A_330, %dma_wait3A_331] : memref<1000000x128xf32, #tpu.memory_space<hbm>> -> memref<128x128xf32, #tpu.memory_space<hbm>>
      tpu.wait_dma2 semaphore(%arg8 : memref<!tpu.dma_semaphore, #tpu.memory_space<semaphore_mem>>) src(%dma_wait3A_332 : memref<128x128xf32, #tpu.memory_space<hbm>>) dst(%dma_wait3A_329 : memref<128x128xf32, #tpu.memory_space<vmem>>)
      %parallel_loop3A_333 = arith.constant 0 : i32
      %parallel_loop3A_334 = arith.constant 128 : i32
      %parallel_loop3A_335 = arith.constant 1 : i32
      scf.for %parallel_loop3A_508 = %parallel_loop3A_333 to %parallel_loop3A_334 step %parallel_loop3A_335  : i32 {
        %parallel_loop3A_509 = arith.constant 1 : i32
        %parallel_loop3A_510 = arith.index_cast %parallel_loop3A_509 : i32 to index
        %parallel_loop3A_511 = arith.index_cast %parallel_loop3A_508 : i32 to index
        %parallel_loop3A_512 = arith.constant 0 : index
        %parallel_loop3A_513 = tpu.vector_load %arg6[%parallel_loop3A_510, %parallel_loop3A_511, %parallel_loop3A_512] {strides = array<i32>} : memref<4x128x128xf32, #tpu.memory_space<vmem>>, vector<1x1x16xf32>,
        %parallel_loop3A_514 = vector.shape_cast %parallel_loop3A_513 : vector<1x1x16xf32> to vector<16xf32>
        %parallel_loop3A_515 = arith.constant 1.250000e-01 : f32
        %parallel_loop3A_516 = vector.broadcast %parallel_loop3A_515 : f32 to vector<16xf32>
        %parallel_loop3A_517 = arith.mulf %parallel_loop3A_514, %parallel_loop3A_516 : vector<16xf32>
        %parallel_loop3A_518 = arith.constant 1 : i32
        %parallel_loop3A_519 = arith.index_cast %parallel_loop3A_518 : i32 to index
        %parallel_loop3A_520 = arith.index_cast %parallel_loop3A_508 : i32 to index
        %parallel_loop3A_521 = arith.constant 0 : index
        %parallel_loop3A_522 = tpu.vector_load %arg6[%parallel_loop3A_519, %parallel_loop3A_520, %parallel_loop3A_521] {strides = array<i32>} : memref<4x128x128xf32, #tpu.memory_space<vmem>>, vector<1x1x16xf32>,
        %parallel_loop3A_523 = vector.shape_cast %parallel_loop3A_522 : vector<1x1x16xf32> to vector<16xf32>
        %parallel_loop3A_524 = vector.shape_cast %parallel_loop3A_517 : vector<16xf32> to vector<1x1x16xf32>
        tpu.vector_store %arg6[%parallel_loop3A_519, %parallel_loop3A_520, %parallel_loop3A_521], %parallel_loop3A_524 {strides = array<i32>} : memref<4x128x128xf32, #tpu.memory_space<vmem>>, vector<1x1x16xf32>,
        %parallel_loop3A_525 = arith.constant 1 : i32
        %parallel_loop3A_526 = arith.index_cast %parallel_loop3A_525 : i32 to index
        %parallel_loop3A_527 = arith.index_cast %parallel_loop3A_508 : i32 to index
        %parallel_loop3A_528 = arith.constant 16 : index
        %parallel_loop3A_529 = tpu.vector_load %arg6[%parallel_loop3A_526, %parallel_loop3A_527, %parallel_loop3A_528] {strides = array<i32>} : memref<4x128x128xf32, #tpu.memory_space<vmem>>, vector<1x1x16xf32>,
        %parallel_loop3A_530 = vector.shape_cast %parallel_loop3A_529 : vector<1x1x16xf32> to vector<16xf32>
        %parallel_loop3A_531 = arith.constant 1.250000e-01 : f32
        %parallel_loop3A_532 = vector.broadcast %parallel_loop3A_531 : f32 to vector<16xf32>
        %parallel_loop3A_533 = arith.mulf %parallel_loop3A_530, %parallel_loop3A_532 : vector<16xf32>
        %parallel_loop3A_534 = arith.constant 1 : i32
        %parallel_loop3A_535 = arith.index_cast %parallel_loop3A_534 : i32 to index
        %parallel_loop3A_536 = arith.index_cast %parallel_loop3A_508 : i32 to index
        %parallel_loop3A_537 = arith.constant 16 : index
        %parallel_loop3A_538 = tpu.vector_load %arg6[%parallel_loop3A_535, %parallel_loop3A_536, %parallel_loop3A_537] {strides = array<i32>} : memref<4x128x128xf32, #tpu.memory_space<vmem>>, vector<1x1x16xf32>,
        %parallel_loop3A_539 = vector.shape_cast %parallel_loop3A_538 : vector<1x1x16xf32> to vector<16xf32>
        %parallel_loop3A_540 = vector.shape_cast %parallel_loop3A_533 : vector<16xf32> to vector<1x1x16xf32>
        tpu.vector_store %arg6[%parallel_loop3A_535, %parallel_loop3A_536, %parallel_loop3A_537], %parallel_loop3A_540 {strides = array<i32>} : memref<4x128x128xf32, #tpu.memory_space<vmem>>, vector<1x1x16xf32>,
        %parallel_loop3A_541 = arith.constant 1 : i32
        %parallel_loop3A_542 = arith.index_cast %parallel_loop3A_541 : i32 to index
        %parallel_loop3A_543 = arith.index_cast %parallel_loop3A_508 : i32 to index
        %parallel_loop3A_544 = arith.constant 32 : index
        %parallel_loop3A_545 = tpu.vector_load %arg6[%parallel_loop3A_542, %parallel_loop3A_543, %parallel_loop3A_544] {strides = array<i32>} : memref<4x128x128xf32, #tpu.memory_space<vmem>>, vector<1x1x16xf32>,
        %parallel_loop3A_546 = vector.shape_cast %parallel_loop3A_545 : vector<1x1x16xf32> to vector<16xf32>
        %parallel_loop3A_547 = arith.constant 1.250000e-01 : f32
        %parallel_loop3A_548 = vector.broadcast %parallel_loop3A_547 : f32 to vector<16xf32>
        %parallel_loop3A_549 = arith.mulf %parallel_loop3A_546, %parallel_loop3A_548 : vector<16xf32>
        %parallel_loop3A_550 = arith.constant 1 : i32
        %parallel_loop3A_551 = arith.index_cast %parallel_loop3A_550 : i32 to index
        %parallel_loop3A_552 = arith.index_cast %parallel_loop3A_508 : i32 to index
        %parallel_loop3A_553 = arith.constant 32 : index
        %parallel_loop3A_554 = tpu.vector_load %arg6[%parallel_loop3A_551, %parallel_loop3A_552, %parallel_loop3A_553] {strides = array<i32>} : memref<4x128x128xf32, #tpu.memory_space<vmem>>, vector<1x1x16xf32>,
        %parallel_loop3A_555 = vector.shape_cast %parallel_loop3A_554 : vector<1x1x16xf32> to vector<16xf32>
        %parallel_loop3A_556 = vector.shape_cast %parallel_loop3A_549 : vector<16xf32> to vector<1x1x16xf32>
        tpu.vector_store %arg6[%parallel_loop3A_551, %parallel_loop3A_552, %parallel_loop3A_553], %parallel_loop3A_556 {strides = array<i32>} : memref<4x128x128xf32, #tpu.memory_space<vmem>>, vector<1x1x16xf32>,
        %parallel_loop3A_557 = arith.constant 1 : i32
        %parallel_loop3A_558 = arith.index_cast %parallel_loop3A_557 : i32 to index
        %parallel_loop3A_559 = arith.index_cast %parallel_loop3A_508 : i32 to index
        %parallel_loop3A_560 = arith.constant 48 : index
        %parallel_loop3A_561 = tpu.vector_load %arg6[%parallel_loop3A_558, %parallel_loop3A_559, %parallel_loop3A_560] {strides = array<i32>} : memref<4x128x128xf32, #tpu.memory_space<vmem>>, vector<1x1x16xf32>,
        %parallel_loop3A_562 = vector.shape_cast %parallel_loop3A_561 : vector<1x1x16xf32> to vector<16xf32>
        %parallel_loop3A_563 = arith.constant 1.250000e-01 : f32
        %parallel_loop3A_564 = vector.broadcast %parallel_loop3A_563 : f32 to vector<16xf32>
        %parallel_loop3A_565 = arith.mulf %parallel_loop3A_562, %parallel_loop3A_564 : vector<16xf32>
        %parallel_loop3A_566 = arith.constant 1 : i32
        %parallel_loop3A_567 = arith.index_cast %parallel_loop3A_566 : i32 to index
        %parallel_loop3A_568 = arith.index_cast %parallel_loop3A_508 : i32 to index
        %parallel_loop3A_569 = arith.constant 48 : index
        %parallel_loop3A_570 = tpu.vector_load %arg6[%parallel_loop3A_567, %parallel_loop3A_568, %parallel_loop3A_569] {strides = array<i32>} : memref<4x128x128xf32, #tpu.memory_space<vmem>>, vector<1x1x16xf32>,
        %parallel_loop3A_571 = vector.shape_cast %parallel_loop3A_570 : vector<1x1x16xf32> to vector<16xf32>
        %parallel_loop3A_572 = vector.shape_cast %parallel_loop3A_565 : vector<16xf32> to vector<1x1x16xf32>
        tpu.vector_store %arg6[%parallel_loop3A_567, %parallel_loop3A_568, %parallel_loop3A_569], %parallel_loop3A_572 {strides = array<i32>} : memref<4x128x128xf32, #tpu.memory_space<vmem>>, vector<1x1x16xf32>,
      } {sc.loop_unroll_factor = 4 : i64, sc.parallel_access}
      %mul3A_336 = arith.constant 128 : i32
      %mul3A_337 = arith.muli %add3A_317, %mul3A_336 : i32
      %add3A_338 = arith.addi %mul3A_6, %mul3A_337 : i32
      %dma_start3A_339 = arith.constant 1 : i32
      %dma_start3A_340 = arith.constant 0 : i32
      %dma_start3A_341 = arith.constant 0 : i32
      %dma_start3A_342 = tpu.memref_slice %arg6[%dma_start3A_339, %dma_start3A_340, %dma_start3A_341] : memref<4x128x128xf32, #tpu.memory_space<vmem>> -> memref<1x128x128xf32, #tpu.memory_space<vmem>>
      %dma_start3A_343 = tpu.memref_squeeze %dma_start3A_342 : memref<1x128x128xf32, #tpu.memory_space<vmem>> -> memref<128x128xf32, #tpu.memory_space<vmem>>
      %dma_start3A_344 = arith.constant 0 : i32
      %dma_start3A_345 = tpu.memref_slice %arg4[%add3A_338, %dma_start3A_344] : memref<819200x128xf32, #tpu.memory_space<hbm>> -> memref<128x128xf32, #tpu.memory_space<hbm>>
      %dma_start3A_346 = arith.constant 0 : i32
      %dma_start3A_347 = tpu.memref_slice %arg4[%add3A_338, %dma_start3A_346] : memref<819200x128xf32, #tpu.memory_space<hbm>> -> memref<128x128xf32, #tpu.memory_space<hbm>>
      %dma_start3A_348 = arith.constant 0 : i32
      %dma_start3A_349 = arith.constant 0 : i32
      %dma_start3A_350 = tpu.memref_slice %arg6[%dma_start3A_339, %dma_start3A_348, %dma_start3A_349] : memref<4x128x128xf32, #tpu.memory_space<vmem>> -> memref<1x128x128xf32, #tpu.memory_space<vmem>>
      %dma_start3A_351 = tpu.memref_squeeze %dma_start3A_350 : memref<1x128x128xf32, #tpu.memory_space<vmem>> -> memref<128x128xf32, #tpu.memory_space<vmem>>
      tpu.enqueue_dma source(%dma_start3A_351 : memref<128x128xf32, #tpu.memory_space<vmem>>) target(%dma_start3A_347 : memref<128x128xf32, #tpu.memory_space<hbm>>) target_semaphore(%arg12 : memref<!tpu.dma_semaphore, #tpu.memory_space<semaphore_mem>>)
      %dma_wait3A_352 = arith.constant 1 : i32
      %dma_wait3A_353 = arith.constant 0 : i32
      %dma_wait3A_354 = arith.constant 0 : i32
      %dma_wait3A_355 = tpu.memref_slice %arg6[%dma_wait3A_352, %dma_wait3A_353, %dma_wait3A_354] : memref<4x128x128xf32, #tpu.memory_space<vmem>> -> memref<1x128x128xf32, #tpu.memory_space<vmem>>
      %dma_wait3A_356 = tpu.memref_squeeze %dma_wait3A_355 : memref<1x128x128xf32, #tpu.memory_space<vmem>> -> memref<128x128xf32, #tpu.memory_space<vmem>>
      %dma_wait3A_357 = arith.constant 0 : i32
      %dma_wait3A_358 = arith.constant 0 : i32
      %dma_wait3A_359 = tpu.memref_slice %arg4[%dma_wait3A_357, %dma_wait3A_358] : memref<819200x128xf32, #tpu.memory_space<hbm>> -> memref<128x128xf32, #tpu.memory_space<hbm>>
      %dma_wait3A_360 = arith.constant 0 : i32
      %dma_wait3A_361 = arith.constant 0 : i32
      %dma_wait3A_362 = tpu.memref_slice %arg4[%dma_wait3A_360, %dma_wait3A_361] : memref<819200x128xf32, #tpu.memory_space<hbm>> -> memref<128x128xf32, #tpu.memory_space<hbm>>
      %dma_wait3A_363 = arith.constant 0 : i32
      %dma_wait3A_364 = arith.constant 0 : i32
      %dma_wait3A_365 = tpu.memref_slice %arg6[%dma_wait3A_352, %dma_wait3A_363, %dma_wait3A_364] : memref<4x128x128xf32, #tpu.memory_space<vmem>> -> memref<1x128x128xf32, #tpu.memory_space<vmem>>
      %dma_wait3A_366 = tpu.memref_squeeze %dma_wait3A_365 : memref<1x128x128xf32, #tpu.memory_space<vmem>> -> memref<128x128xf32, #tpu.memory_space<vmem>>
      tpu.wait_dma2 semaphore(%arg12 : memref<!tpu.dma_semaphore, #tpu.memory_space<semaphore_mem>>) src(%dma_wait3A_366 : memref<128x128xf32, #tpu.memory_space<vmem>>) dst(%dma_wait3A_362 : memref<128x128xf32, #tpu.memory_space<hbm>>)
      %add3A_367 = arith.constant 4 : i32
      %add3A_368 = arith.addi %add3A_317, %add3A_367 : i32
      %dma_start3A_369 = arith.constant 1 : i32
      %dma_start3A_370 = arith.constant 0 : i32
      %dma_start3A_371 = arith.constant 0 : i32
      %dma_start3A_372 = tpu.memref_slice %arg6[%dma_start3A_369, %dma_start3A_370, %dma_start3A_371] : memref<4x128x128xf32, #tpu.memory_space<vmem>> -> memref<1x128x128xf32, #tpu.memory_space<vmem>>
      %dma_start3A_373 = tpu.memref_squeeze %dma_start3A_372 : memref<1x128x128xf32, #tpu.memory_space<vmem>> -> memref<128x128xf32, #tpu.memory_space<vmem>>
      %dma_start3A_374 = arith.constant 0 : i32
      %dma_start3A_375 = tpu.memref_slice %arg5[%add3A_368, %dma_start3A_374] : memref<200x128xi32, #tpu.memory_space<vmem>> -> memref<1x128xi32, #tpu.memory_space<vmem>>
      %dma_start3A_376 = tpu.memref_squeeze %dma_start3A_375 : memref<1x128xi32, #tpu.memory_space<vmem>> -> memref<128xi32, #tpu.memory_space<vmem>>
      %dma_start3A_377 = arith.constant 0 : i32
      %dma_start3A_378 = arith.constant 0 : i32
      %dma_start3A_379 = tpu.memref_slice %arg3[%dma_start3A_377, %dma_start3A_378] : memref<1000000x128xf32, #tpu.memory_space<hbm>> -> memref<1000000x128xf32, #tpu.memory_space<hbm>>
      tpu.enqueue_indirect_dma source(%dma_start3A_379 : memref<1000000x128xf32, #tpu.memory_space<hbm>>) target(%dma_start3A_373 : memref<128x128xf32, #tpu.memory_space<vmem>>) offsets(%dma_start3A_376 : memref<128xi32, #tpu.memory_space<vmem>>) semaphore(%arg8 : memref<!tpu.dma_semaphore, #tpu.memory_space<semaphore_mem>>)
      %add3A_380 = arith.constant 2 : i32
      %add3A_381 = arith.addi %mul3A_251, %add3A_380 : i32
      %dma_wait3A_382 = arith.constant 2 : i32
      %dma_wait3A_383 = arith.constant 0 : i32
      %dma_wait3A_384 = arith.constant 0 : i32
      %dma_wait3A_385 = tpu.memref_slice %arg6[%dma_wait3A_382, %dma_wait3A_383, %dma_wait3A_384] : memref<4x128x128xf32, #tpu.memory_space<vmem>> -> memref<1x128x128xf32, #tpu.memory_space<vmem>>
      %dma_wait3A_386 = tpu.memref_squeeze %dma_wait3A_385 : memref<1x128x128xf32, #tpu.memory_space<vmem>> -> memref<128x128xf32, #tpu.memory_space<vmem>>
      %dma_wait3A_387 = arith.constant 0 : i32
      %dma_wait3A_388 = arith.constant 0 : i32
      %dma_wait3A_389 = tpu.memref_slice %arg3[%dma_wait3A_387, %dma_wait3A_388] : memref<1000000x128xf32, #tpu.memory_space<hbm>> -> memref<128x128xf32, #tpu.memory_space<hbm>>
      %dma_wait3A_390 = arith.constant 0 : i32
      %dma_wait3A_391 = arith.constant 0 : i32
      %dma_wait3A_392 = tpu.memref_slice %arg6[%dma_wait3A_382, %dma_wait3A_390, %dma_wait3A_391] : memref<4x128x128xf32, #tpu.memory_space<vmem>> -> memref<1x128x128xf32, #tpu.memory_space<vmem>>
      %dma_wait3A_393 = tpu.memref_squeeze %dma_wait3A_392 : memref<1x128x128xf32, #tpu.memory_space<vmem>> -> memref<128x128xf32, #tpu.memory_space<vmem>>
      %dma_wait3A_394 = arith.constant 0 : i32
      %dma_wait3A_395 = arith.constant 0 : i32
      %dma_wait3A_396 = tpu.memref_slice %arg3[%dma_wait3A_394, %dma_wait3A_395] : memref<1000000x128xf32, #tpu.memory_space<hbm>> -> memref<128x128xf32, #tpu.memory_space<hbm>>
      tpu.wait_dma2 semaphore(%arg9 : memref<!tpu.dma_semaphore, #tpu.memory_space<semaphore_mem>>) src(%dma_wait3A_396 : memref<128x128xf32, #tpu.memory_space<hbm>>) dst(%dma_wait3A_393 : memref<128x128xf32, #tpu.memory_space<vmem>>)
      %parallel_loop3A_397 = arith.constant 0 : i32
      %parallel_loop3A_398 = arith.constant 128 : i32
      %parallel_loop3A_399 = arith.constant 1 : i32
      scf.for %parallel_loop3A_508 = %parallel_loop3A_397 to %parallel_loop3A_398 step %parallel_loop3A_399  : i32 {
        %parallel_loop3A_509 = arith.constant 2 : i32
        %parallel_loop3A_510 = arith.index_cast %parallel_loop3A_509 : i32 to index
        %parallel_loop3A_511 = arith.index_cast %parallel_loop3A_508 : i32 to index
        %parallel_loop3A_512 = arith.constant 0 : index
        %parallel_loop3A_513 = tpu.vector_load %arg6[%parallel_loop3A_510, %parallel_loop3A_511, %parallel_loop3A_512] {strides = array<i32>} : memref<4x128x128xf32, #tpu.memory_space<vmem>>, vector<1x1x16xf32>,
        %parallel_loop3A_514 = vector.shape_cast %parallel_loop3A_513 : vector<1x1x16xf32> to vector<16xf32>
        %parallel_loop3A_515 = arith.constant 1.250000e-01 : f32
        %parallel_loop3A_516 = vector.broadcast %parallel_loop3A_515 : f32 to vector<16xf32>
        %parallel_loop3A_517 = arith.mulf %parallel_loop3A_514, %parallel_loop3A_516 : vector<16xf32>
        %parallel_loop3A_518 = arith.constant 2 : i32
        %parallel_loop3A_519 = arith.index_cast %parallel_loop3A_518 : i32 to index
        %parallel_loop3A_520 = arith.index_cast %parallel_loop3A_508 : i32 to index
        %parallel_loop3A_521 = arith.constant 0 : index
        %parallel_loop3A_522 = tpu.vector_load %arg6[%parallel_loop3A_519, %parallel_loop3A_520, %parallel_loop3A_521] {strides = array<i32>} : memref<4x128x128xf32, #tpu.memory_space<vmem>>, vector<1x1x16xf32>,
        %parallel_loop3A_523 = vector.shape_cast %parallel_loop3A_522 : vector<1x1x16xf32> to vector<16xf32>
        %parallel_loop3A_524 = vector.shape_cast %parallel_loop3A_517 : vector<16xf32> to vector<1x1x16xf32>
        tpu.vector_store %arg6[%parallel_loop3A_519, %parallel_loop3A_520, %parallel_loop3A_521], %parallel_loop3A_524 {strides = array<i32>} : memref<4x128x128xf32, #tpu.memory_space<vmem>>, vector<1x1x16xf32>,
        %parallel_loop3A_525 = arith.constant 2 : i32
        %parallel_loop3A_526 = arith.index_cast %parallel_loop3A_525 : i32 to index
        %parallel_loop3A_527 = arith.index_cast %parallel_loop3A_508 : i32 to index
        %parallel_loop3A_528 = arith.constant 16 : index
        %parallel_loop3A_529 = tpu.vector_load %arg6[%parallel_loop3A_526, %parallel_loop3A_527, %parallel_loop3A_528] {strides = array<i32>} : memref<4x128x128xf32, #tpu.memory_space<vmem>>, vector<1x1x16xf32>,
        %parallel_loop3A_530 = vector.shape_cast %parallel_loop3A_529 : vector<1x1x16xf32> to vector<16xf32>
        %parallel_loop3A_531 = arith.constant 1.250000e-01 : f32
        %parallel_loop3A_532 = vector.broadcast %parallel_loop3A_531 : f32 to vector<16xf32>
        %parallel_loop3A_533 = arith.mulf %parallel_loop3A_530, %parallel_loop3A_532 : vector<16xf32>
        %parallel_loop3A_534 = arith.constant 2 : i32
        %parallel_loop3A_535 = arith.index_cast %parallel_loop3A_534 : i32 to index
        %parallel_loop3A_536 = arith.index_cast %parallel_loop3A_508 : i32 to index
        %parallel_loop3A_537 = arith.constant 16 : index
        %parallel_loop3A_538 = tpu.vector_load %arg6[%parallel_loop3A_535, %parallel_loop3A_536, %parallel_loop3A_537] {strides = array<i32>} : memref<4x128x128xf32, #tpu.memory_space<vmem>>, vector<1x1x16xf32>,
        %parallel_loop3A_539 = vector.shape_cast %parallel_loop3A_538 : vector<1x1x16xf32> to vector<16xf32>
        %parallel_loop3A_540 = vector.shape_cast %parallel_loop3A_533 : vector<16xf32> to vector<1x1x16xf32>
        tpu.vector_store %arg6[%parallel_loop3A_535, %parallel_loop3A_536, %parallel_loop3A_537], %parallel_loop3A_540 {strides = array<i32>} : memref<4x128x128xf32, #tpu.memory_space<vmem>>, vector<1x1x16xf32>,
        %parallel_loop3A_541 = arith.constant 2 : i32
        %parallel_loop3A_542 = arith.index_cast %parallel_loop3A_541 : i32 to index
        %parallel_loop3A_543 = arith.index_cast %parallel_loop3A_508 : i32 to index
        %parallel_loop3A_544 = arith.constant 32 : index
        %parallel_loop3A_545 = tpu.vector_load %arg6[%parallel_loop3A_542, %parallel_loop3A_543, %parallel_loop3A_544] {strides = array<i32>} : memref<4x128x128xf32, #tpu.memory_space<vmem>>, vector<1x1x16xf32>,
        %parallel_loop3A_546 = vector.shape_cast %parallel_loop3A_545 : vector<1x1x16xf32> to vector<16xf32>
        %parallel_loop3A_547 = arith.constant 1.250000e-01 : f32
        %parallel_loop3A_548 = vector.broadcast %parallel_loop3A_547 : f32 to vector<16xf32>
        %parallel_loop3A_549 = arith.mulf %parallel_loop3A_546, %parallel_loop3A_548 : vector<16xf32>
        %parallel_loop3A_550 = arith.constant 2 : i32
        %parallel_loop3A_551 = arith.index_cast %parallel_loop3A_550 : i32 to index
        %parallel_loop3A_552 = arith.index_cast %parallel_loop3A_508 : i32 to index
        %parallel_loop3A_553 = arith.constant 32 : index
        %parallel_loop3A_554 = tpu.vector_load %arg6[%parallel_loop3A_551, %parallel_loop3A_552, %parallel_loop3A_553] {strides = array<i32>} : memref<4x128x128xf32, #tpu.memory_space<vmem>>, vector<1x1x16xf32>,
        %parallel_loop3A_555 = vector.shape_cast %parallel_loop3A_554 : vector<1x1x16xf32> to vector<16xf32>
        %parallel_loop3A_556 = vector.shape_cast %parallel_loop3A_549 : vector<16xf32> to vector<1x1x16xf32>
        tpu.vector_store %arg6[%parallel_loop3A_551, %parallel_loop3A_552, %parallel_loop3A_553], %parallel_loop3A_556 {strides = array<i32>} : memref<4x128x128xf32, #tpu.memory_space<vmem>>, vector<1x1x16xf32>,
        %parallel_loop3A_557 = arith.constant 2 : i32
        %parallel_loop3A_558 = arith.index_cast %parallel_loop3A_557 : i32 to index
        %parallel_loop3A_559 = arith.index_cast %parallel_loop3A_508 : i32 to index
        %parallel_loop3A_560 = arith.constant 48 : index
        %parallel_loop3A_561 = tpu.vector_load %arg6[%parallel_loop3A_558, %parallel_loop3A_559, %parallel_loop3A_560] {strides = array<i32>} : memref<4x128x128xf32, #tpu.memory_space<vmem>>, vector<1x1x16xf32>,
        %parallel_loop3A_562 = vector.shape_cast %parallel_loop3A_561 : vector<1x1x16xf32> to vector<16xf32>
        %parallel_loop3A_563 = arith.constant 1.250000e-01 : f32
        %parallel_loop3A_564 = vector.broadcast %parallel_loop3A_563 : f32 to vector<16xf32>
        %parallel_loop3A_565 = arith.mulf %parallel_loop3A_562, %parallel_loop3A_564 : vector<16xf32>
        %parallel_loop3A_566 = arith.constant 2 : i32
        %parallel_loop3A_567 = arith.index_cast %parallel_loop3A_566 : i32 to index
        %parallel_loop3A_568 = arith.index_cast %parallel_loop3A_508 : i32 to index
        %parallel_loop3A_569 = arith.constant 48 : index
        %parallel_loop3A_570 = tpu.vector_load %arg6[%parallel_loop3A_567, %parallel_loop3A_568, %parallel_loop3A_569] {strides = array<i32>} : memref<4x128x128xf32, #tpu.memory_space<vmem>>, vector<1x1x16xf32>,
        %parallel_loop3A_571 = vector.shape_cast %parallel_loop3A_570 : vector<1x1x16xf32> to vector<16xf32>
        %parallel_loop3A_572 = vector.shape_cast %parallel_loop3A_565 : vector<16xf32> to vector<1x1x16xf32>
        tpu.vector_store %arg6[%parallel_loop3A_567, %parallel_loop3A_568, %parallel_loop3A_569], %parallel_loop3A_572 {strides = array<i32>} : memref<4x128x128xf32, #tpu.memory_space<vmem>>, vector<1x1x16xf32>,
      } {sc.loop_unroll_factor = 4 : i64, sc.parallel_access}
      %mul3A_400 = arith.constant 128 : i32
      %mul3A_401 = arith.muli %add3A_381, %mul3A_400 : i32
      %add3A_402 = arith.addi %mul3A_6, %mul3A_401 : i32
      %dma_start3A_403 = arith.constant 2 : i32
      %dma_start3A_404 = arith.constant 0 : i32
      %dma_start3A_405 = arith.constant 0 : i32
      %dma_start3A_406 = tpu.memref_slice %arg6[%dma_start3A_403, %dma_start3A_404, %dma_start3A_405] : memref<4x128x128xf32, #tpu.memory_space<vmem>> -> memref<1x128x128xf32, #tpu.memory_space<vmem>>
      %dma_start3A_407 = tpu.memref_squeeze %dma_start3A_406 : memref<1x128x128xf32, #tpu.memory_space<vmem>> -> memref<128x128xf32, #tpu.memory_space<vmem>>
      %dma_start3A_408 = arith.constant 0 : i32
      %dma_start3A_409 = tpu.memref_slice %arg4[%add3A_402, %dma_start3A_408] : memref<819200x128xf32, #tpu.memory_space<hbm>> -> memref<128x128xf32, #tpu.memory_space<hbm>>
      %dma_start3A_410 = arith.constant 0 : i32
      %dma_start3A_411 = tpu.memref_slice %arg4[%add3A_402, %dma_start3A_410] : memref<819200x128xf32, #tpu.memory_space<hbm>> -> memref<128x128xf32, #tpu.memory_space<hbm>>
      %dma_start3A_412 = arith.constant 0 : i32
      %dma_start3A_413 = arith.constant 0 : i32
      %dma_start3A_414 = tpu.memref_slice %arg6[%dma_start3A_403, %dma_start3A_412, %dma_start3A_413] : memref<4x128x128xf32, #tpu.memory_space<vmem>> -> memref<1x128x128xf32, #tpu.memory_space<vmem>>
      %dma_start3A_415 = tpu.memref_squeeze %dma_start3A_414 : memref<1x128x128xf32, #tpu.memory_space<vmem>> -> memref<128x128xf32, #tpu.memory_space<vmem>>
      tpu.enqueue_dma source(%dma_start3A_415 : memref<128x128xf32, #tpu.memory_space<vmem>>) target(%dma_start3A_411 : memref<128x128xf32, #tpu.memory_space<hbm>>) target_semaphore(%arg13 : memref<!tpu.dma_semaphore, #tpu.memory_space<semaphore_mem>>)
      %dma_wait3A_416 = arith.constant 2 : i32
      %dma_wait3A_417 = arith.constant 0 : i32
      %dma_wait3A_418 = arith.constant 0 : i32
      %dma_wait3A_419 = tpu.memref_slice %arg6[%dma_wait3A_416, %dma_wait3A_417, %dma_wait3A_418] : memref<4x128x128xf32, #tpu.memory_space<vmem>> -> memref<1x128x128xf32, #tpu.memory_space<vmem>>
      %dma_wait3A_420 = tpu.memref_squeeze %dma_wait3A_419 : memref<1x128x128xf32, #tpu.memory_space<vmem>> -> memref<128x128xf32, #tpu.memory_space<vmem>>
      %dma_wait3A_421 = arith.constant 0 : i32
      %dma_wait3A_422 = arith.constant 0 : i32
      %dma_wait3A_423 = tpu.memref_slice %arg4[%dma_wait3A_421, %dma_wait3A_422] : memref<819200x128xf32, #tpu.memory_space<hbm>> -> memref<128x128xf32, #tpu.memory_space<hbm>>
      %dma_wait3A_424 = arith.constant 0 : i32
      %dma_wait3A_425 = arith.constant 0 : i32
      %dma_wait3A_426 = tpu.memref_slice %arg4[%dma_wait3A_424, %dma_wait3A_425] : memref<819200x128xf32, #tpu.memory_space<hbm>> -> memref<128x128xf32, #tpu.memory_space<hbm>>
      %dma_wait3A_427 = arith.constant 0 : i32
      %dma_wait3A_428 = arith.constant 0 : i32
      %dma_wait3A_429 = tpu.memref_slice %arg6[%dma_wait3A_416, %dma_wait3A_427, %dma_wait3A_428] : memref<4x128x128xf32, #tpu.memory_space<vmem>> -> memref<1x128x128xf32, #tpu.memory_space<vmem>>
      %dma_wait3A_430 = tpu.memref_squeeze %dma_wait3A_429 : memref<1x128x128xf32, #tpu.memory_space<vmem>> -> memref<128x128xf32, #tpu.memory_space<vmem>>
      tpu.wait_dma2 semaphore(%arg13 : memref<!tpu.dma_semaphore, #tpu.memory_space<semaphore_mem>>) src(%dma_wait3A_430 : memref<128x128xf32, #tpu.memory_space<vmem>>) dst(%dma_wait3A_426 : memref<128x128xf32, #tpu.memory_space<hbm>>)
      %add3A_431 = arith.constant 4 : i32
      %add3A_432 = arith.addi %add3A_381, %add3A_431 : i32
      %dma_start3A_433 = arith.constant 2 : i32
      %dma_start3A_434 = arith.constant 0 : i32
      %dma_start3A_435 = arith.constant 0 : i32
      %dma_start3A_436 = tpu.memref_slice %arg6[%dma_start3A_433, %dma_start3A_434, %dma_start3A_435] : memref<4x128x128xf32, #tpu.memory_space<vmem>> -> memref<1x128x128xf32, #tpu.memory_space<vmem>>
      %dma_start3A_437 = tpu.memref_squeeze %dma_start3A_436 : memref<1x128x128xf32, #tpu.memory_space<vmem>> -> memref<128x128xf32, #tpu.memory_space<vmem>>
      %dma_start3A_438 = arith.constant 0 : i32
      %dma_start3A_439 = tpu.memref_slice %arg5[%add3A_432, %dma_start3A_438] : memref<200x128xi32, #tpu.memory_space<vmem>> -> memref<1x128xi32, #tpu.memory_space<vmem>>
      %dma_start3A_440 = tpu.memref_squeeze %dma_start3A_439 : memref<1x128xi32, #tpu.memory_space<vmem>> -> memref<128xi32, #tpu.memory_space<vmem>>
      %dma_start3A_441 = arith.constant 0 : i32
      %dma_start3A_442 = arith.constant 0 : i32
      %dma_start3A_443 = tpu.memref_slice %arg3[%dma_start3A_441, %dma_start3A_442] : memref<1000000x128xf32, #tpu.memory_space<hbm>> -> memref<1000000x128xf32, #tpu.memory_space<hbm>>
      tpu.enqueue_indirect_dma source(%dma_start3A_443 : memref<1000000x128xf32, #tpu.memory_space<hbm>>) target(%dma_start3A_437 : memref<128x128xf32, #tpu.memory_space<vmem>>) offsets(%dma_start3A_440 : memref<128xi32, #tpu.memory_space<vmem>>) semaphore(%arg9 : memref<!tpu.dma_semaphore, #tpu.memory_space<semaphore_mem>>)
      %add3A_444 = arith.constant 3 : i32
      %add3A_445 = arith.addi %mul3A_251, %add3A_444 : i32
      %dma_wait3A_446 = arith.constant 3 : i32
      %dma_wait3A_447 = arith.constant 0 : i32
      %dma_wait3A_448 = arith.constant 0 : i32
      %dma_wait3A_449 = tpu.memref_slice %arg6[%dma_wait3A_446, %dma_wait3A_447, %dma_wait3A_448] : memref<4x128x128xf32, #tpu.memory_space<vmem>> -> memref<1x128x128xf32, #tpu.memory_space<vmem>>
      %dma_wait3A_450 = tpu.memref_squeeze %dma_wait3A_449 : memref<1x128x128xf32, #tpu.memory_space<vmem>> -> memref<128x128xf32, #tpu.memory_space<vmem>>
      %dma_wait3A_451 = arith.constant 0 : i32
      %dma_wait3A_452 = arith.constant 0 : i32
      %dma_wait3A_453 = tpu.memref_slice %arg3[%dma_wait3A_451, %dma_wait3A_452] : memref<1000000x128xf32, #tpu.memory_space<hbm>> -> memref<128x128xf32, #tpu.memory_space<hbm>>
      %dma_wait3A_454 = arith.constant 0 : i32
      %dma_wait3A_455 = arith.constant 0 : i32
      %dma_wait3A_456 = tpu.memref_slice %arg6[%dma_wait3A_446, %dma_wait3A_454, %dma_wait3A_455] : memref<4x128x128xf32, #tpu.memory_space<vmem>> -> memref<1x128x128xf32, #tpu.memory_space<vmem>>
      %dma_wait3A_457 = tpu.memref_squeeze %dma_wait3A_456 : memref<1x128x128xf32, #tpu.memory_space<vmem>> -> memref<128x128xf32, #tpu.memory_space<vmem>>
      %dma_wait3A_458 = arith.constant 0 : i32
      %dma_wait3A_459 = arith.constant 0 : i32
      %dma_wait3A_460 = tpu.memref_slice %arg3[%dma_wait3A_458, %dma_wait3A_459] : memref<1000000x128xf32, #tpu.memory_space<hbm>> -> memref<128x128xf32, #tpu.memory_space<hbm>>
      tpu.wait_dma2 semaphore(%arg10 : memref<!tpu.dma_semaphore, #tpu.memory_space<semaphore_mem>>) src(%dma_wait3A_460 : memref<128x128xf32, #tpu.memory_space<hbm>>) dst(%dma_wait3A_457 : memref<128x128xf32, #tpu.memory_space<vmem>>)
      %parallel_loop3A_461 = arith.constant 0 : i32
      %parallel_loop3A_462 = arith.constant 128 : i32
      %parallel_loop3A_463 = arith.constant 1 : i32
      scf.for %parallel_loop3A_508 = %parallel_loop3A_461 to %parallel_loop3A_462 step %parallel_loop3A_463  : i32 {
        %parallel_loop3A_509 = arith.constant 3 : i32
        %parallel_loop3A_510 = arith.index_cast %parallel_loop3A_509 : i32 to index
        %parallel_loop3A_511 = arith.index_cast %parallel_loop3A_508 : i32 to index
        %parallel_loop3A_512 = arith.constant 0 : index
        %parallel_loop3A_513 = tpu.vector_load %arg6[%parallel_loop3A_510, %parallel_loop3A_511, %parallel_loop3A_512] {strides = array<i32>} : memref<4x128x128xf32, #tpu.memory_space<vmem>>, vector<1x1x16xf32>,
        %parallel_loop3A_514 = vector.shape_cast %parallel_loop3A_513 : vector<1x1x16xf32> to vector<16xf32>
        %parallel_loop3A_515 = arith.constant 1.250000e-01 : f32
        %parallel_loop3A_516 = vector.broadcast %parallel_loop3A_515 : f32 to vector<16xf32>
        %parallel_loop3A_517 = arith.mulf %parallel_loop3A_514, %parallel_loop3A_516 : vector<16xf32>
        %parallel_loop3A_518 = arith.constant 3 : i32
        %parallel_loop3A_519 = arith.index_cast %parallel_loop3A_518 : i32 to index
        %parallel_loop3A_520 = arith.index_cast %parallel_loop3A_508 : i32 to index
        %parallel_loop3A_521 = arith.constant 0 : index
        %parallel_loop3A_522 = tpu.vector_load %arg6[%parallel_loop3A_519, %parallel_loop3A_520, %parallel_loop3A_521] {strides = array<i32>} : memref<4x128x128xf32, #tpu.memory_space<vmem>>, vector<1x1x16xf32>,
        %parallel_loop3A_523 = vector.shape_cast %parallel_loop3A_522 : vector<1x1x16xf32> to vector<16xf32>
        %parallel_loop3A_524 = vector.shape_cast %parallel_loop3A_517 : vector<16xf32> to vector<1x1x16xf32>
        tpu.vector_store %arg6[%parallel_loop3A_519, %parallel_loop3A_520, %parallel_loop3A_521], %parallel_loop3A_524 {strides = array<i32>} : memref<4x128x128xf32, #tpu.memory_space<vmem>>, vector<1x1x16xf32>,
        %parallel_loop3A_525 = arith.constant 3 : i32
        %parallel_loop3A_526 = arith.index_cast %parallel_loop3A_525 : i32 to index
        %parallel_loop3A_527 = arith.index_cast %parallel_loop3A_508 : i32 to index
        %parallel_loop3A_528 = arith.constant 16 : index
        %parallel_loop3A_529 = tpu.vector_load %arg6[%parallel_loop3A_526, %parallel_loop3A_527, %parallel_loop3A_528] {strides = array<i32>} : memref<4x128x128xf32, #tpu.memory_space<vmem>>, vector<1x1x16xf32>,
        %parallel_loop3A_530 = vector.shape_cast %parallel_loop3A_529 : vector<1x1x16xf32> to vector<16xf32>
        %parallel_loop3A_531 = arith.constant 1.250000e-01 : f32
        %parallel_loop3A_532 = vector.broadcast %parallel_loop3A_531 : f32 to vector<16xf32>
        %parallel_loop3A_533 = arith.mulf %parallel_loop3A_530, %parallel_loop3A_532 : vector<16xf32>
        %parallel_loop3A_534 = arith.constant 3 : i32
        %parallel_loop3A_535 = arith.index_cast %parallel_loop3A_534 : i32 to index
        %parallel_loop3A_536 = arith.index_cast %parallel_loop3A_508 : i32 to index
        %parallel_loop3A_537 = arith.constant 16 : index
        %parallel_loop3A_538 = tpu.vector_load %arg6[%parallel_loop3A_535, %parallel_loop3A_536, %parallel_loop3A_537] {strides = array<i32>} : memref<4x128x128xf32, #tpu.memory_space<vmem>>, vector<1x1x16xf32>,
        %parallel_loop3A_539 = vector.shape_cast %parallel_loop3A_538 : vector<1x1x16xf32> to vector<16xf32>
        %parallel_loop3A_540 = vector.shape_cast %parallel_loop3A_533 : vector<16xf32> to vector<1x1x16xf32>
        tpu.vector_store %arg6[%parallel_loop3A_535, %parallel_loop3A_536, %parallel_loop3A_537], %parallel_loop3A_540 {strides = array<i32>} : memref<4x128x128xf32, #tpu.memory_space<vmem>>, vector<1x1x16xf32>,
        %parallel_loop3A_541 = arith.constant 3 : i32
        %parallel_loop3A_542 = arith.index_cast %parallel_loop3A_541 : i32 to index
        %parallel_loop3A_543 = arith.index_cast %parallel_loop3A_508 : i32 to index
        %parallel_loop3A_544 = arith.constant 32 : index
        %parallel_loop3A_545 = tpu.vector_load %arg6[%parallel_loop3A_542, %parallel_loop3A_543, %parallel_loop3A_544] {strides = array<i32>} : memref<4x128x128xf32, #tpu.memory_space<vmem>>, vector<1x1x16xf32>,
        %parallel_loop3A_546 = vector.shape_cast %parallel_loop3A_545 : vector<1x1x16xf32> to vector<16xf32>
        %parallel_loop3A_547 = arith.constant 1.250000e-01 : f32
        %parallel_loop3A_548 = vector.broadcast %parallel_loop3A_547 : f32 to vector<16xf32>
        %parallel_loop3A_549 = arith.mulf %parallel_loop3A_546, %parallel_loop3A_548 : vector<16xf32>
        %parallel_loop3A_550 = arith.constant 3 : i32
        %parallel_loop3A_551 = arith.index_cast %parallel_loop3A_550 : i32 to index
        %parallel_loop3A_552 = arith.index_cast %parallel_loop3A_508 : i32 to index
        %parallel_loop3A_553 = arith.constant 32 : index
        %parallel_loop3A_554 = tpu.vector_load %arg6[%parallel_loop3A_551, %parallel_loop3A_552, %parallel_loop3A_553] {strides = array<i32>} : memref<4x128x128xf32, #tpu.memory_space<vmem>>, vector<1x1x16xf32>,
        %parallel_loop3A_555 = vector.shape_cast %parallel_loop3A_554 : vector<1x1x16xf32> to vector<16xf32>
        %parallel_loop3A_556 = vector.shape_cast %parallel_loop3A_549 : vector<16xf32> to vector<1x1x16xf32>
        tpu.vector_store %arg6[%parallel_loop3A_551, %parallel_loop3A_552, %parallel_loop3A_553], %parallel_loop3A_556 {strides = array<i32>} : memref<4x128x128xf32, #tpu.memory_space<vmem>>, vector<1x1x16xf32>,
        %parallel_loop3A_557 = arith.constant 3 : i32
        %parallel_loop3A_558 = arith.index_cast %parallel_loop3A_557 : i32 to index
        %parallel_loop3A_559 = arith.index_cast %parallel_loop3A_508 : i32 to index
        %parallel_loop3A_560 = arith.constant 48 : index
        %parallel_loop3A_561 = tpu.vector_load %arg6[%parallel_loop3A_558, %parallel_loop3A_559, %parallel_loop3A_560] {strides = array<i32>} : memref<4x128x128xf32, #tpu.memory_space<vmem>>, vector<1x1x16xf32>,
        %parallel_loop3A_562 = vector.shape_cast %parallel_loop3A_561 : vector<1x1x16xf32> to vector<16xf32>
        %parallel_loop3A_563 = arith.constant 1.250000e-01 : f32
        %parallel_loop3A_564 = vector.broadcast %parallel_loop3A_563 : f32 to vector<16xf32>
        %parallel_loop3A_565 = arith.mulf %parallel_loop3A_562, %parallel_loop3A_564 : vector<16xf32>
        %parallel_loop3A_566 = arith.constant 3 : i32
        %parallel_loop3A_567 = arith.index_cast %parallel_loop3A_566 : i32 to index
        %parallel_loop3A_568 = arith.index_cast %parallel_loop3A_508 : i32 to index
        %parallel_loop3A_569 = arith.constant 48 : index
        %parallel_loop3A_570 = tpu.vector_load %arg6[%parallel_loop3A_567, %parallel_loop3A_568, %parallel_loop3A_569] {strides = array<i32>} : memref<4x128x128xf32, #tpu.memory_space<vmem>>, vector<1x1x16xf32>,
        %parallel_loop3A_571 = vector.shape_cast %parallel_loop3A_570 : vector<1x1x16xf32> to vector<16xf32>
        %parallel_loop3A_572 = vector.shape_cast %parallel_loop3A_565 : vector<16xf32> to vector<1x1x16xf32>
        tpu.vector_store %arg6[%parallel_loop3A_567, %parallel_loop3A_568, %parallel_loop3A_569], %parallel_loop3A_572 {strides = array<i32>} : memref<4x128x128xf32, #tpu.memory_space<vmem>>, vector<1x1x16xf32>,
      } {sc.loop_unroll_factor = 4 : i64, sc.parallel_access}
      %mul3A_464 = arith.constant 128 : i32
      %mul3A_465 = arith.muli %add3A_445, %mul3A_464 : i32
      %add3A_466 = arith.addi %mul3A_6, %mul3A_465 : i32
      %dma_start3A_467 = arith.constant 3 : i32
      %dma_start3A_468 = arith.constant 0 : i32
      %dma_start3A_469 = arith.constant 0 : i32
      %dma_start3A_470 = tpu.memref_slice %arg6[%dma_start3A_467, %dma_start3A_468, %dma_start3A_469] : memref<4x128x128xf32, #tpu.memory_space<vmem>> -> memref<1x128x128xf32, #tpu.memory_space<vmem>>
      %dma_start3A_471 = tpu.memref_squeeze %dma_start3A_470 : memref<1x128x128xf32, #tpu.memory_space<vmem>> -> memref<128x128xf32, #tpu.memory_space<vmem>>
      %dma_start3A_472 = arith.constant 0 : i32
      %dma_start3A_473 = tpu.memref_slice %arg4[%add3A_466, %dma_start3A_472] : memref<819200x128xf32, #tpu.memory_space<hbm>> -> memref<128x128xf32, #tpu.memory_space<hbm>>
      %dma_start3A_474 = arith.constant 0 : i32
      %dma_start3A_475 = tpu.memref_slice %arg4[%add3A_466, %dma_start3A_474] : memref<819200x128xf32, #tpu.memory_space<hbm>> -> memref<128x128xf32, #tpu.memory_space<hbm>>
      %dma_start3A_476 = arith.constant 0 : i32
      %dma_start3A_477 = arith.constant 0 : i32
      %dma_start3A_478 = tpu.memref_slice %arg6[%dma_start3A_467, %dma_start3A_476, %dma_start3A_477] : memref<4x128x128xf32, #tpu.memory_space<vmem>> -> memref<1x128x128xf32, #tpu.memory_space<vmem>>
      %dma_start3A_479 = tpu.memref_squeeze %dma_start3A_478 : memref<1x128x128xf32, #tpu.memory_space<vmem>> -> memref<128x128xf32, #tpu.memory_space<vmem>>
      tpu.enqueue_dma source(%dma_start3A_479 : memref<128x128xf32, #tpu.memory_space<vmem>>) target(%dma_start3A_475 : memref<128x128xf32, #tpu.memory_space<hbm>>) target_semaphore(%arg14 : memref<!tpu.dma_semaphore, #tpu.memory_space<semaphore_mem>>)
      %dma_wait3A_480 = arith.constant 3 : i32
      %dma_wait3A_481 = arith.constant 0 : i32
      %dma_wait3A_482 = arith.constant 0 : i32
      %dma_wait3A_483 = tpu.memref_slice %arg6[%dma_wait3A_480, %dma_wait3A_481, %dma_wait3A_482] : memref<4x128x128xf32, #tpu.memory_space<vmem>> -> memref<1x128x128xf32, #tpu.memory_space<vmem>>
      %dma_wait3A_484 = tpu.memref_squeeze %dma_wait3A_483 : memref<1x128x128xf32, #tpu.memory_space<vmem>> -> memref<128x128xf32, #tpu.memory_space<vmem>>
      %dma_wait3A_485 = arith.constant 0 : i32
      %dma_wait3A_486 = arith.constant 0 : i32
      %dma_wait3A_487 = tpu.memref_slice %arg4[%dma_wait3A_485, %dma_wait3A_486] : memref<819200x128xf32, #tpu.memory_space<hbm>> -> memref<128x128xf32, #tpu.memory_space<hbm>>
      %dma_wait3A_488 = arith.constant 0 : i32
      %dma_wait3A_489 = arith.constant 0 : i32
      %dma_wait3A_490 = tpu.memref_slice %arg4[%dma_wait3A_488, %dma_wait3A_489] : memref<819200x128xf32, #tpu.memory_space<hbm>> -> memref<128x128xf32, #tpu.memory_space<hbm>>
      %dma_wait3A_491 = arith.constant 0 : i32
      %dma_wait3A_492 = arith.constant 0 : i32
      %dma_wait3A_493 = tpu.memref_slice %arg6[%dma_wait3A_480, %dma_wait3A_491, %dma_wait3A_492] : memref<4x128x128xf32, #tpu.memory_space<vmem>> -> memref<1x128x128xf32, #tpu.memory_space<vmem>>
      %dma_wait3A_494 = tpu.memref_squeeze %dma_wait3A_493 : memref<1x128x128xf32, #tpu.memory_space<vmem>> -> memref<128x128xf32, #tpu.memory_space<vmem>>
      tpu.wait_dma2 semaphore(%arg14 : memref<!tpu.dma_semaphore, #tpu.memory_space<semaphore_mem>>) src(%dma_wait3A_494 : memref<128x128xf32, #tpu.memory_space<vmem>>) dst(%dma_wait3A_490 : memref<128x128xf32, #tpu.memory_space<hbm>>)
      %add3A_495 = arith.constant 4 : i32
      %add3A_496 = arith.addi %add3A_445, %add3A_495 : i32
      %dma_start3A_497 = arith.constant 3 : i32
      %dma_start3A_498 = arith.constant 0 : i32
      %dma_start3A_499 = arith.constant 0 : i32
      %dma_start3A_500 = tpu.memref_slice %arg6[%dma_start3A_497, %dma_start3A_498, %dma_start3A_499] : memref<4x128x128xf32, #tpu.memory_space<vmem>> -> memref<1x128x128xf32, #tpu.memory_space<vmem>>
      %dma_start3A_501 = tpu.memref_squeeze %dma_start3A_500 : memref<1x128x128xf32, #tpu.memory_space<vmem>> -> memref<128x128xf32, #tpu.memory_space<vmem>>
      %dma_start3A_502 = arith.constant 0 : i32
      %dma_start3A_503 = tpu.memref_slice %arg5[%add3A_496, %dma_start3A_502] : memref<200x128xi32, #tpu.memory_space<vmem>> -> memref<1x128xi32, #tpu.memory_space<vmem>>
      %dma_start3A_504 = tpu.memref_squeeze %dma_start3A_503 : memref<1x128xi32, #tpu.memory_space<vmem>> -> memref<128xi32, #tpu.memory_space<vmem>>
      %dma_start3A_505 = arith.constant 0 : i32
      %dma_start3A_506 = arith.constant 0 : i32
      %dma_start3A_507 = tpu.memref_slice %arg3[%dma_start3A_505, %dma_start3A_506] : memref<1000000x128xf32, #tpu.memory_space<hbm>> -> memref<1000000x128xf32, #tpu.memory_space<hbm>>
      tpu.enqueue_indirect_dma source(%dma_start3A_507 : memref<1000000x128xf32, #tpu.memory_space<hbm>>) target(%dma_start3A_501 : memref<128x128xf32, #tpu.memory_space<vmem>>) offsets(%dma_start3A_504 : memref<128xi32, #tpu.memory_space<vmem>>) semaphore(%arg10 : memref<!tpu.dma_semaphore, #tpu.memory_space<semaphore_mem>>)
    }
    %scan3A_58 = arith.constant 49 : i32
    %dma_wait3A = arith.constant 0 : i32
    %dma_wait3A_59 = arith.constant 0 : i32
    %dma_wait3A_60 = arith.constant 0 : i32
    %dma_wait3A_61 = tpu.memref_slice %arg6[%dma_wait3A, %dma_wait3A_59, %dma_wait3A_60] : memref<4x128x128xf32, #tpu.memory_space<vmem>> -> memref<1x128x128xf32, #tpu.memory_space<vmem>>
    %dma_wait3A_62 = tpu.memref_squeeze %dma_wait3A_61 : memref<1x128x128xf32, #tpu.memory_space<vmem>> -> memref<128x128xf32, #tpu.memory_space<vmem>>
    %dma_wait3A_63 = arith.constant 0 : i32
    %dma_wait3A_64 = arith.constant 0 : i32
    %dma_wait3A_65 = tpu.memref_slice %arg3[%dma_wait3A_63, %dma_wait3A_64] : memref<1000000x128xf32, #tpu.memory_space<hbm>> -> memref<128x128xf32, #tpu.memory_space<hbm>>
    %dma_wait3A_66 = arith.constant 0 : i32
    %dma_wait3A_67 = arith.constant 0 : i32
    %dma_wait3A_68 = tpu.memref_slice %arg6[%dma_wait3A, %dma_wait3A_66, %dma_wait3A_67] : memref<4x128x128xf32, #tpu.memory_space<vmem>> -> memref<1x128x128xf32, #tpu.memory_space<vmem>>
    %dma_wait3A_69 = tpu.memref_squeeze %dma_wait3A_68 : memref<1x128x128xf32, #tpu.memory_space<vmem>> -> memref<128x128xf32, #tpu.memory_space<vmem>>
    %dma_wait3A_70 = arith.constant 0 : i32
    %dma_wait3A_71 = arith.constant 0 : i32
    %dma_wait3A_72 = tpu.memref_slice %arg3[%dma_wait3A_70, %dma_wait3A_71] : memref<1000000x128xf32, #tpu.memory_space<hbm>> -> memref<128x128xf32, #tpu.memory_space<hbm>>
    tpu.wait_dma2 semaphore(%arg7 : memref<!tpu.dma_semaphore, #tpu.memory_space<semaphore_mem>>) src(%dma_wait3A_72 : memref<128x128xf32, #tpu.memory_space<hbm>>) dst(%dma_wait3A_69 : memref<128x128xf32, #tpu.memory_space<vmem>>)
    %parallel_loop3A = arith.constant 0 : i32
    %parallel_loop3A_73 = arith.constant 128 : i32
    %parallel_loop3A_74 = arith.constant 1 : i32
    scf.for %parallel_loop3A_249 = %parallel_loop3A to %parallel_loop3A_73 step %parallel_loop3A_74  : i32 {
      %parallel_loop3A_250 = arith.constant 0 : i32
      %parallel_loop3A_251 = arith.index_cast %parallel_loop3A_250 : i32 to index
      %parallel_loop3A_252 = arith.index_cast %parallel_loop3A_249 : i32 to index
      %parallel_loop3A_253 = arith.constant 0 : index
      %parallel_loop3A_254 = tpu.vector_load %arg6[%parallel_loop3A_251, %parallel_loop3A_252, %parallel_loop3A_253] {strides = array<i32>} : memref<4x128x128xf32, #tpu.memory_space<vmem>>, vector<1x1x16xf32>,
      %parallel_loop3A_255 = vector.shape_cast %parallel_loop3A_254 : vector<1x1x16xf32> to vector<16xf32>
      %parallel_loop3A_256 = arith.constant 1.250000e-01 : f32
      %parallel_loop3A_257 = vector.broadcast %parallel_loop3A_256 : f32 to vector<16xf32>
      %parallel_loop3A_258 = arith.mulf %parallel_loop3A_255, %parallel_loop3A_257 : vector<16xf32>
      %parallel_loop3A_259 = arith.constant 0 : i32
      %parallel_loop3A_260 = arith.index_cast %parallel_loop3A_259 : i32 to index
      %parallel_loop3A_261 = arith.index_cast %parallel_loop3A_249 : i32 to index
      %parallel_loop3A_262 = arith.constant 0 : index
      %parallel_loop3A_263 = tpu.vector_load %arg6[%parallel_loop3A_260, %parallel_loop3A_261, %parallel_loop3A_262] {strides = array<i32>} : memref<4x128x128xf32, #tpu.memory_space<vmem>>, vector<1x1x16xf32>,
      %parallel_loop3A_264 = vector.shape_cast %parallel_loop3A_263 : vector<1x1x16xf32> to vector<16xf32>
      %parallel_loop3A_265 = vector.shape_cast %parallel_loop3A_258 : vector<16xf32> to vector<1x1x16xf32>
      tpu.vector_store %arg6[%parallel_loop3A_260, %parallel_loop3A_261, %parallel_loop3A_262], %parallel_loop3A_265 {strides = array<i32>} : memref<4x128x128xf32, #tpu.memory_space<vmem>>, vector<1x1x16xf32>,
      %parallel_loop3A_266 = arith.constant 0 : i32
      %parallel_loop3A_267 = arith.index_cast %parallel_loop3A_266 : i32 to index
      %parallel_loop3A_268 = arith.index_cast %parallel_loop3A_249 : i32 to index
      %parallel_loop3A_269 = arith.constant 16 : index
      %parallel_loop3A_270 = tpu.vector_load %arg6[%parallel_loop3A_267, %parallel_loop3A_268, %parallel_loop3A_269] {strides = array<i32>} : memref<4x128x128xf32, #tpu.memory_space<vmem>>, vector<1x1x16xf32>,
      %parallel_loop3A_271 = vector.shape_cast %parallel_loop3A_270 : vector<1x1x16xf32> to vector<16xf32>
      %parallel_loop3A_272 = arith.constant 1.250000e-01 : f32
      %parallel_loop3A_273 = vector.broadcast %parallel_loop3A_272 : f32 to vector<16xf32>
      %parallel_loop3A_274 = arith.mulf %parallel_loop3A_271, %parallel_loop3A_273 : vector<16xf32>
      %parallel_loop3A_275 = arith.constant 0 : i32
      %parallel_loop3A_276 = arith.index_cast %parallel_loop3A_275 : i32 to index
      %parallel_loop3A_277 = arith.index_cast %parallel_loop3A_249 : i32 to index
      %parallel_loop3A_278 = arith.constant 16 : index
      %parallel_loop3A_279 = tpu.vector_load %arg6[%parallel_loop3A_276, %parallel_loop3A_277, %parallel_loop3A_278] {strides = array<i32>} : memref<4x128x128xf32, #tpu.memory_space<vmem>>, vector<1x1x16xf32>,
      %parallel_loop3A_280 = vector.shape_cast %parallel_loop3A_279 : vector<1x1x16xf32> to vector<16xf32>
      %parallel_loop3A_281 = vector.shape_cast %parallel_loop3A_274 : vector<16xf32> to vector<1x1x16xf32>
      tpu.vector_store %arg6[%parallel_loop3A_276, %parallel_loop3A_277, %parallel_loop3A_278], %parallel_loop3A_281 {strides = array<i32>} : memref<4x128x128xf32, #tpu.memory_space<vmem>>, vector<1x1x16xf32>,
      %parallel_loop3A_282 = arith.constant 0 : i32
      %parallel_loop3A_283 = arith.index_cast %parallel_loop3A_282 : i32 to index
      %parallel_loop3A_284 = arith.index_cast %parallel_loop3A_249 : i32 to index
      %parallel_loop3A_285 = arith.constant 32 : index
      %parallel_loop3A_286 = tpu.vector_load %arg6[%parallel_loop3A_283, %parallel_loop3A_284, %parallel_loop3A_285] {strides = array<i32>} : memref<4x128x128xf32, #tpu.memory_space<vmem>>, vector<1x1x16xf32>,
      %parallel_loop3A_287 = vector.shape_cast %parallel_loop3A_286 : vector<1x1x16xf32> to vector<16xf32>
      %parallel_loop3A_288 = arith.constant 1.250000e-01 : f32
      %parallel_loop3A_289 = vector.broadcast %parallel_loop3A_288 : f32 to vector<16xf32>
      %parallel_loop3A_290 = arith.mulf %parallel_loop3A_287, %parallel_loop3A_289 : vector<16xf32>
      %parallel_loop3A_291 = arith.constant 0 : i32
      %parallel_loop3A_292 = arith.index_cast %parallel_loop3A_291 : i32 to index
      %parallel_loop3A_293 = arith.index_cast %parallel_loop3A_249 : i32 to index
      %parallel_loop3A_294 = arith.constant 32 : index
      %parallel_loop3A_295 = tpu.vector_load %arg6[%parallel_loop3A_292, %parallel_loop3A_293, %parallel_loop3A_294] {strides = array<i32>} : memref<4x128x128xf32, #tpu.memory_space<vmem>>, vector<1x1x16xf32>,
      %parallel_loop3A_296 = vector.shape_cast %parallel_loop3A_295 : vector<1x1x16xf32> to vector<16xf32>
      %parallel_loop3A_297 = vector.shape_cast %parallel_loop3A_290 : vector<16xf32> to vector<1x1x16xf32>
      tpu.vector_store %arg6[%parallel_loop3A_292, %parallel_loop3A_293, %parallel_loop3A_294], %parallel_loop3A_297 {strides = array<i32>} : memref<4x128x128xf32, #tpu.memory_space<vmem>>, vector<1x1x16xf32>,
      %parallel_loop3A_298 = arith.constant 0 : i32
      %parallel_loop3A_299 = arith.index_cast %parallel_loop3A_298 : i32 to index
      %parallel_loop3A_300 = arith.index_cast %parallel_loop3A_249 : i32 to index
      %parallel_loop3A_301 = arith.constant 48 : index
      %parallel_loop3A_302 = tpu.vector_load %arg6[%parallel_loop3A_299, %parallel_loop3A_300, %parallel_loop3A_301] {strides = array<i32>} : memref<4x128x128xf32, #tpu.memory_space<vmem>>, vector<1x1x16xf32>,
      %parallel_loop3A_303 = vector.shape_cast %parallel_loop3A_302 : vector<1x1x16xf32> to vector<16xf32>
      %parallel_loop3A_304 = arith.constant 1.250000e-01 : f32
      %parallel_loop3A_305 = vector.broadcast %parallel_loop3A_304 : f32 to vector<16xf32>
      %parallel_loop3A_306 = arith.mulf %parallel_loop3A_303, %parallel_loop3A_305 : vector<16xf32>
      %parallel_loop3A_307 = arith.constant 0 : i32
      %parallel_loop3A_308 = arith.index_cast %parallel_loop3A_307 : i32 to index
      %parallel_loop3A_309 = arith.index_cast %parallel_loop3A_249 : i32 to index
      %parallel_loop3A_310 = arith.constant 48 : index
      %parallel_loop3A_311 = tpu.vector_load %arg6[%parallel_loop3A_308, %parallel_loop3A_309, %parallel_loop3A_310] {strides = array<i32>} : memref<4x128x128xf32, #tpu.memory_space<vmem>>, vector<1x1x16xf32>,
      %parallel_loop3A_312 = vector.shape_cast %parallel_loop3A_311 : vector<1x1x16xf32> to vector<16xf32>
      %parallel_loop3A_313 = vector.shape_cast %parallel_loop3A_306 : vector<16xf32> to vector<1x1x16xf32>
      tpu.vector_store %arg6[%parallel_loop3A_308, %parallel_loop3A_309, %parallel_loop3A_310], %parallel_loop3A_313 {strides = array<i32>} : memref<4x128x128xf32, #tpu.memory_space<vmem>>, vector<1x1x16xf32>,
    } {sc.loop_unroll_factor = 4 : i64, sc.parallel_access}
    %add3A_75 = arith.constant 25088 : i32
    %add3A_76 = arith.addi %mul3A_6, %add3A_75 : i32
    %dma_start3A_77 = arith.constant 0 : i32
    %dma_start3A_78 = arith.constant 0 : i32
    %dma_start3A_79 = arith.constant 0 : i32
    %dma_start3A_80 = tpu.memref_slice %arg6[%dma_start3A_77, %dma_start3A_78, %dma_start3A_79] : memref<4x128x128xf32, #tpu.memory_space<vmem>> -> memref<1x128x128xf32, #tpu.memory_space<vmem>>
    %dma_start3A_81 = tpu.memref_squeeze %dma_start3A_80 : memref<1x128x128xf32, #tpu.memory_space<vmem>> -> memref<128x128xf32, #tpu.memory_space<vmem>>
    %dma_start3A_82 = arith.constant 0 : i32
    %dma_start3A_83 = tpu.memref_slice %arg4[%add3A_76, %dma_start3A_82] : memref<819200x128xf32, #tpu.memory_space<hbm>> -> memref<128x128xf32, #tpu.memory_space<hbm>>
    %dma_start3A_84 = arith.constant 0 : i32
    %dma_start3A_85 = tpu.memref_slice %arg4[%add3A_76, %dma_start3A_84] : memref<819200x128xf32, #tpu.memory_space<hbm>> -> memref<128x128xf32, #tpu.memory_space<hbm>>
    %dma_start3A_86 = arith.constant 0 : i32
    %dma_start3A_87 = arith.constant 0 : i32
    %dma_start3A_88 = tpu.memref_slice %arg6[%dma_start3A_77, %dma_start3A_86, %dma_start3A_87] : memref<4x128x128xf32, #tpu.memory_space<vmem>> -> memref<1x128x128xf32, #tpu.memory_space<vmem>>
    %dma_start3A_89 = tpu.memref_squeeze %dma_start3A_88 : memref<1x128x128xf32, #tpu.memory_space<vmem>> -> memref<128x128xf32, #tpu.memory_space<vmem>>
    tpu.enqueue_dma source(%dma_start3A_89 : memref<128x128xf32, #tpu.memory_space<vmem>>) target(%dma_start3A_85 : memref<128x128xf32, #tpu.memory_space<hbm>>) target_semaphore(%arg11 : memref<!tpu.dma_semaphore, #tpu.memory_space<semaphore_mem>>)
    %dma_wait3A_90 = arith.constant 1 : i32
    %dma_wait3A_91 = arith.constant 0 : i32
    %dma_wait3A_92 = arith.constant 0 : i32
    %dma_wait3A_93 = tpu.memref_slice %arg6[%dma_wait3A_90, %dma_wait3A_91, %dma_wait3A_92] : memref<4x128x128xf32, #tpu.memory_space<vmem>> -> memref<1x128x128xf32, #tpu.memory_space<vmem>>
    %dma_wait3A_94 = tpu.memref_squeeze %dma_wait3A_93 : memref<1x128x128xf32, #tpu.memory_space<vmem>> -> memref<128x128xf32, #tpu.memory_space<vmem>>
    %dma_wait3A_95 = arith.constant 0 : i32
    %dma_wait3A_96 = arith.constant 0 : i32
    %dma_wait3A_97 = tpu.memref_slice %arg3[%dma_wait3A_95, %dma_wait3A_96] : memref<1000000x128xf32, #tpu.memory_space<hbm>> -> memref<128x128xf32, #tpu.memory_space<hbm>>
    %dma_wait3A_98 = arith.constant 0 : i32
    %dma_wait3A_99 = arith.constant 0 : i32
    %dma_wait3A_100 = tpu.memref_slice %arg6[%dma_wait3A_90, %dma_wait3A_98, %dma_wait3A_99] : memref<4x128x128xf32, #tpu.memory_space<vmem>> -> memref<1x128x128xf32, #tpu.memory_space<vmem>>
    %dma_wait3A_101 = tpu.memref_squeeze %dma_wait3A_100 : memref<1x128x128xf32, #tpu.memory_space<vmem>> -> memref<128x128xf32, #tpu.memory_space<vmem>>
    %dma_wait3A_102 = arith.constant 0 : i32
    %dma_wait3A_103 = arith.constant 0 : i32
    %dma_wait3A_104 = tpu.memref_slice %arg3[%dma_wait3A_102, %dma_wait3A_103] : memref<1000000x128xf32, #tpu.memory_space<hbm>> -> memref<128x128xf32, #tpu.memory_space<hbm>>
    tpu.wait_dma2 semaphore(%arg8 : memref<!tpu.dma_semaphore, #tpu.memory_space<semaphore_mem>>) src(%dma_wait3A_104 : memref<128x128xf32, #tpu.memory_space<hbm>>) dst(%dma_wait3A_101 : memref<128x128xf32, #tpu.memory_space<vmem>>)
    %parallel_loop3A_105 = arith.constant 0 : i32
    %parallel_loop3A_106 = arith.constant 128 : i32
    %parallel_loop3A_107 = arith.constant 1 : i32
    scf.for %parallel_loop3A_249 = %parallel_loop3A_105 to %parallel_loop3A_106 step %parallel_loop3A_107  : i32 {
      %parallel_loop3A_250 = arith.constant 1 : i32
      %parallel_loop3A_251 = arith.index_cast %parallel_loop3A_250 : i32 to index
      %parallel_loop3A_252 = arith.index_cast %parallel_loop3A_249 : i32 to index
      %parallel_loop3A_253 = arith.constant 0 : index
      %parallel_loop3A_254 = tpu.vector_load %arg6[%parallel_loop3A_251, %parallel_loop3A_252, %parallel_loop3A_253] {strides = array<i32>} : memref<4x128x128xf32, #tpu.memory_space<vmem>>, vector<1x1x16xf32>,
      %parallel_loop3A_255 = vector.shape_cast %parallel_loop3A_254 : vector<1x1x16xf32> to vector<16xf32>
      %parallel_loop3A_256 = arith.constant 1.250000e-01 : f32
      %parallel_loop3A_257 = vector.broadcast %parallel_loop3A_256 : f32 to vector<16xf32>
      %parallel_loop3A_258 = arith.mulf %parallel_loop3A_255, %parallel_loop3A_257 : vector<16xf32>
      %parallel_loop3A_259 = arith.constant 1 : i32
      %parallel_loop3A_260 = arith.index_cast %parallel_loop3A_259 : i32 to index
      %parallel_loop3A_261 = arith.index_cast %parallel_loop3A_249 : i32 to index
      %parallel_loop3A_262 = arith.constant 0 : index
      %parallel_loop3A_263 = tpu.vector_load %arg6[%parallel_loop3A_260, %parallel_loop3A_261, %parallel_loop3A_262] {strides = array<i32>} : memref<4x128x128xf32, #tpu.memory_space<vmem>>, vector<1x1x16xf32>,
      %parallel_loop3A_264 = vector.shape_cast %parallel_loop3A_263 : vector<1x1x16xf32> to vector<16xf32>
      %parallel_loop3A_265 = vector.shape_cast %parallel_loop3A_258 : vector<16xf32> to vector<1x1x16xf32>
      tpu.vector_store %arg6[%parallel_loop3A_260, %parallel_loop3A_261, %parallel_loop3A_262], %parallel_loop3A_265 {strides = array<i32>} : memref<4x128x128xf32, #tpu.memory_space<vmem>>, vector<1x1x16xf32>,
      %parallel_loop3A_266 = arith.constant 1 : i32
      %parallel_loop3A_267 = arith.index_cast %parallel_loop3A_266 : i32 to index
      %parallel_loop3A_268 = arith.index_cast %parallel_loop3A_249 : i32 to index
      %parallel_loop3A_269 = arith.constant 16 : index
      %parallel_loop3A_270 = tpu.vector_load %arg6[%parallel_loop3A_267, %parallel_loop3A_268, %parallel_loop3A_269] {strides = array<i32>} : memref<4x128x128xf32, #tpu.memory_space<vmem>>, vector<1x1x16xf32>,
      %parallel_loop3A_271 = vector.shape_cast %parallel_loop3A_270 : vector<1x1x16xf32> to vector<16xf32>
      %parallel_loop3A_272 = arith.constant 1.250000e-01 : f32
      %parallel_loop3A_273 = vector.broadcast %parallel_loop3A_272 : f32 to vector<16xf32>
      %parallel_loop3A_274 = arith.mulf %parallel_loop3A_271, %parallel_loop3A_273 : vector<16xf32>
      %parallel_loop3A_275 = arith.constant 1 : i32
      %parallel_loop3A_276 = arith.index_cast %parallel_loop3A_275 : i32 to index
      %parallel_loop3A_277 = arith.index_cast %parallel_loop3A_249 : i32 to index
      %parallel_loop3A_278 = arith.constant 16 : index
      %parallel_loop3A_279 = tpu.vector_load %arg6[%parallel_loop3A_276, %parallel_loop3A_277, %parallel_loop3A_278] {strides = array<i32>} : memref<4x128x128xf32, #tpu.memory_space<vmem>>, vector<1x1x16xf32>,
      %parallel_loop3A_280 = vector.shape_cast %parallel_loop3A_279 : vector<1x1x16xf32> to vector<16xf32>
      %parallel_loop3A_281 = vector.shape_cast %parallel_loop3A_274 : vector<16xf32> to vector<1x1x16xf32>
      tpu.vector_store %arg6[%parallel_loop3A_276, %parallel_loop3A_277, %parallel_loop3A_278], %parallel_loop3A_281 {strides = array<i32>} : memref<4x128x128xf32, #tpu.memory_space<vmem>>, vector<1x1x16xf32>,
      %parallel_loop3A_282 = arith.constant 1 : i32
      %parallel_loop3A_283 = arith.index_cast %parallel_loop3A_282 : i32 to index
      %parallel_loop3A_284 = arith.index_cast %parallel_loop3A_249 : i32 to index
      %parallel_loop3A_285 = arith.constant 32 : index
      %parallel_loop3A_286 = tpu.vector_load %arg6[%parallel_loop3A_283, %parallel_loop3A_284, %parallel_loop3A_285] {strides = array<i32>} : memref<4x128x128xf32, #tpu.memory_space<vmem>>, vector<1x1x16xf32>,
      %parallel_loop3A_287 = vector.shape_cast %parallel_loop3A_286 : vector<1x1x16xf32> to vector<16xf32>
      %parallel_loop3A_288 = arith.constant 1.250000e-01 : f32
      %parallel_loop3A_289 = vector.broadcast %parallel_loop3A_288 : f32 to vector<16xf32>
      %parallel_loop3A_290 = arith.mulf %parallel_loop3A_287, %parallel_loop3A_289 : vector<16xf32>
      %parallel_loop3A_291 = arith.constant 1 : i32
      %parallel_loop3A_292 = arith.index_cast %parallel_loop3A_291 : i32 to index
      %parallel_loop3A_293 = arith.index_cast %parallel_loop3A_249 : i32 to index
      %parallel_loop3A_294 = arith.constant 32 : index
      %parallel_loop3A_295 = tpu.vector_load %arg6[%parallel_loop3A_292, %parallel_loop3A_293, %parallel_loop3A_294] {strides = array<i32>} : memref<4x128x128xf32, #tpu.memory_space<vmem>>, vector<1x1x16xf32>,
      %parallel_loop3A_296 = vector.shape_cast %parallel_loop3A_295 : vector<1x1x16xf32> to vector<16xf32>
      %parallel_loop3A_297 = vector.shape_cast %parallel_loop3A_290 : vector<16xf32> to vector<1x1x16xf32>
      tpu.vector_store %arg6[%parallel_loop3A_292, %parallel_loop3A_293, %parallel_loop3A_294], %parallel_loop3A_297 {strides = array<i32>} : memref<4x128x128xf32, #tpu.memory_space<vmem>>, vector<1x1x16xf32>,
      %parallel_loop3A_298 = arith.constant 1 : i32
      %parallel_loop3A_299 = arith.index_cast %parallel_loop3A_298 : i32 to index
      %parallel_loop3A_300 = arith.index_cast %parallel_loop3A_249 : i32 to index
      %parallel_loop3A_301 = arith.constant 48 : index
      %parallel_loop3A_302 = tpu.vector_load %arg6[%parallel_loop3A_299, %parallel_loop3A_300, %parallel_loop3A_301] {strides = array<i32>} : memref<4x128x128xf32, #tpu.memory_space<vmem>>, vector<1x1x16xf32>,
      %parallel_loop3A_303 = vector.shape_cast %parallel_loop3A_302 : vector<1x1x16xf32> to vector<16xf32>
      %parallel_loop3A_304 = arith.constant 1.250000e-01 : f32
      %parallel_loop3A_305 = vector.broadcast %parallel_loop3A_304 : f32 to vector<16xf32>
      %parallel_loop3A_306 = arith.mulf %parallel_loop3A_303, %parallel_loop3A_305 : vector<16xf32>
      %parallel_loop3A_307 = arith.constant 1 : i32
      %parallel_loop3A_308 = arith.index_cast %parallel_loop3A_307 : i32 to index
      %parallel_loop3A_309 = arith.index_cast %parallel_loop3A_249 : i32 to index
      %parallel_loop3A_310 = arith.constant 48 : index
      %parallel_loop3A_311 = tpu.vector_load %arg6[%parallel_loop3A_308, %parallel_loop3A_309, %parallel_loop3A_310] {strides = array<i32>} : memref<4x128x128xf32, #tpu.memory_space<vmem>>, vector<1x1x16xf32>,
      %parallel_loop3A_312 = vector.shape_cast %parallel_loop3A_311 : vector<1x1x16xf32> to vector<16xf32>
      %parallel_loop3A_313 = vector.shape_cast %parallel_loop3A_306 : vector<16xf32> to vector<1x1x16xf32>
      tpu.vector_store %arg6[%parallel_loop3A_308, %parallel_loop3A_309, %parallel_loop3A_310], %parallel_loop3A_313 {strides = array<i32>} : memref<4x128x128xf32, #tpu.memory_space<vmem>>, vector<1x1x16xf32>,
    } {sc.loop_unroll_factor = 4 : i64, sc.parallel_access}
    %add3A_108 = arith.constant 25216 : i32
    %add3A_109 = arith.addi %mul3A_6, %add3A_108 : i32
    %dma_start3A_110 = arith.constant 1 : i32
    %dma_start3A_111 = arith.constant 0 : i32
    %dma_start3A_112 = arith.constant 0 : i32
    %dma_start3A_113 = tpu.memref_slice %arg6[%dma_start3A_110, %dma_start3A_111, %dma_start3A_112] : memref<4x128x128xf32, #tpu.memory_space<vmem>> -> memref<1x128x128xf32, #tpu.memory_space<vmem>>
    %dma_start3A_114 = tpu.memref_squeeze %dma_start3A_113 : memref<1x128x128xf32, #tpu.memory_space<vmem>> -> memref<128x128xf32, #tpu.memory_space<vmem>>
    %dma_start3A_115 = arith.constant 0 : i32
    %dma_start3A_116 = tpu.memref_slice %arg4[%add3A_109, %dma_start3A_115] : memref<819200x128xf32, #tpu.memory_space<hbm>> -> memref<128x128xf32, #tpu.memory_space<hbm>>
    %dma_start3A_117 = arith.constant 0 : i32
    %dma_start3A_118 = tpu.memref_slice %arg4[%add3A_109, %dma_start3A_117] : memref<819200x128xf32, #tpu.memory_space<hbm>> -> memref<128x128xf32, #tpu.memory_space<hbm>>
    %dma_start3A_119 = arith.constant 0 : i32
    %dma_start3A_120 = arith.constant 0 : i32
    %dma_start3A_121 = tpu.memref_slice %arg6[%dma_start3A_110, %dma_start3A_119, %dma_start3A_120] : memref<4x128x128xf32, #tpu.memory_space<vmem>> -> memref<1x128x128xf32, #tpu.memory_space<vmem>>
    %dma_start3A_122 = tpu.memref_squeeze %dma_start3A_121 : memref<1x128x128xf32, #tpu.memory_space<vmem>> -> memref<128x128xf32, #tpu.memory_space<vmem>>
    tpu.enqueue_dma source(%dma_start3A_122 : memref<128x128xf32, #tpu.memory_space<vmem>>) target(%dma_start3A_118 : memref<128x128xf32, #tpu.memory_space<hbm>>) target_semaphore(%arg12 : memref<!tpu.dma_semaphore, #tpu.memory_space<semaphore_mem>>)
    %dma_wait3A_123 = arith.constant 2 : i32
    %dma_wait3A_124 = arith.constant 0 : i32
    %dma_wait3A_125 = arith.constant 0 : i32
    %dma_wait3A_126 = tpu.memref_slice %arg6[%dma_wait3A_123, %dma_wait3A_124, %dma_wait3A_125] : memref<4x128x128xf32, #tpu.memory_space<vmem>> -> memref<1x128x128xf32, #tpu.memory_space<vmem>>
    %dma_wait3A_127 = tpu.memref_squeeze %dma_wait3A_126 : memref<1x128x128xf32, #tpu.memory_space<vmem>> -> memref<128x128xf32, #tpu.memory_space<vmem>>
    %dma_wait3A_128 = arith.constant 0 : i32
    %dma_wait3A_129 = arith.constant 0 : i32
    %dma_wait3A_130 = tpu.memref_slice %arg3[%dma_wait3A_128, %dma_wait3A_129] : memref<1000000x128xf32, #tpu.memory_space<hbm>> -> memref<128x128xf32, #tpu.memory_space<hbm>>
    %dma_wait3A_131 = arith.constant 0 : i32
    %dma_wait3A_132 = arith.constant 0 : i32
    %dma_wait3A_133 = tpu.memref_slice %arg6[%dma_wait3A_123, %dma_wait3A_131, %dma_wait3A_132] : memref<4x128x128xf32, #tpu.memory_space<vmem>> -> memref<1x128x128xf32, #tpu.memory_space<vmem>>
    %dma_wait3A_134 = tpu.memref_squeeze %dma_wait3A_133 : memref<1x128x128xf32, #tpu.memory_space<vmem>> -> memref<128x128xf32, #tpu.memory_space<vmem>>
    %dma_wait3A_135 = arith.constant 0 : i32
    %dma_wait3A_136 = arith.constant 0 : i32
    %dma_wait3A_137 = tpu.memref_slice %arg3[%dma_wait3A_135, %dma_wait3A_136] : memref<1000000x128xf32, #tpu.memory_space<hbm>> -> memref<128x128xf32, #tpu.memory_space<hbm>>
    tpu.wait_dma2 semaphore(%arg9 : memref<!tpu.dma_semaphore, #tpu.memory_space<semaphore_mem>>) src(%dma_wait3A_137 : memref<128x128xf32, #tpu.memory_space<hbm>>) dst(%dma_wait3A_134 : memref<128x128xf32, #tpu.memory_space<vmem>>)
    %parallel_loop3A_138 = arith.constant 0 : i32
    %parallel_loop3A_139 = arith.constant 128 : i32
    %parallel_loop3A_140 = arith.constant 1 : i32
    scf.for %parallel_loop3A_249 = %parallel_loop3A_138 to %parallel_loop3A_139 step %parallel_loop3A_140  : i32 {
      %parallel_loop3A_250 = arith.constant 2 : i32
      %parallel_loop3A_251 = arith.index_cast %parallel_loop3A_250 : i32 to index
      %parallel_loop3A_252 = arith.index_cast %parallel_loop3A_249 : i32 to index
      %parallel_loop3A_253 = arith.constant 0 : index
      %parallel_loop3A_254 = tpu.vector_load %arg6[%parallel_loop3A_251, %parallel_loop3A_252, %parallel_loop3A_253] {strides = array<i32>} : memref<4x128x128xf32, #tpu.memory_space<vmem>>, vector<1x1x16xf32>,
      %parallel_loop3A_255 = vector.shape_cast %parallel_loop3A_254 : vector<1x1x16xf32> to vector<16xf32>
      %parallel_loop3A_256 = arith.constant 1.250000e-01 : f32
      %parallel_loop3A_257 = vector.broadcast %parallel_loop3A_256 : f32 to vector<16xf32>
      %parallel_loop3A_258 = arith.mulf %parallel_loop3A_255, %parallel_loop3A_257 : vector<16xf32>
      %parallel_loop3A_259 = arith.constant 2 : i32
      %parallel_loop3A_260 = arith.index_cast %parallel_loop3A_259 : i32 to index
      %parallel_loop3A_261 = arith.index_cast %parallel_loop3A_249 : i32 to index
      %parallel_loop3A_262 = arith.constant 0 : index
      %parallel_loop3A_263 = tpu.vector_load %arg6[%parallel_loop3A_260, %parallel_loop3A_261, %parallel_loop3A_262] {strides = array<i32>} : memref<4x128x128xf32, #tpu.memory_space<vmem>>, vector<1x1x16xf32>,
      %parallel_loop3A_264 = vector.shape_cast %parallel_loop3A_263 : vector<1x1x16xf32> to vector<16xf32>
      %parallel_loop3A_265 = vector.shape_cast %parallel_loop3A_258 : vector<16xf32> to vector<1x1x16xf32>
      tpu.vector_store %arg6[%parallel_loop3A_260, %parallel_loop3A_261, %parallel_loop3A_262], %parallel_loop3A_265 {strides = array<i32>} : memref<4x128x128xf32, #tpu.memory_space<vmem>>, vector<1x1x16xf32>,
      %parallel_loop3A_266 = arith.constant 2 : i32
      %parallel_loop3A_267 = arith.index_cast %parallel_loop3A_266 : i32 to index
      %parallel_loop3A_268 = arith.index_cast %parallel_loop3A_249 : i32 to index
      %parallel_loop3A_269 = arith.constant 16 : index
      %parallel_loop3A_270 = tpu.vector_load %arg6[%parallel_loop3A_267, %parallel_loop3A_268, %parallel_loop3A_269] {strides = array<i32>} : memref<4x128x128xf32, #tpu.memory_space<vmem>>, vector<1x1x16xf32>,
      %parallel_loop3A_271 = vector.shape_cast %parallel_loop3A_270 : vector<1x1x16xf32> to vector<16xf32>
      %parallel_loop3A_272 = arith.constant 1.250000e-01 : f32
      %parallel_loop3A_273 = vector.broadcast %parallel_loop3A_272 : f32 to vector<16xf32>
      %parallel_loop3A_274 = arith.mulf %parallel_loop3A_271, %parallel_loop3A_273 : vector<16xf32>
      %parallel_loop3A_275 = arith.constant 2 : i32
      %parallel_loop3A_276 = arith.index_cast %parallel_loop3A_275 : i32 to index
      %parallel_loop3A_277 = arith.index_cast %parallel_loop3A_249 : i32 to index
      %parallel_loop3A_278 = arith.constant 16 : index
      %parallel_loop3A_279 = tpu.vector_load %arg6[%parallel_loop3A_276, %parallel_loop3A_277, %parallel_loop3A_278] {strides = array<i32>} : memref<4x128x128xf32, #tpu.memory_space<vmem>>, vector<1x1x16xf32>,
      %parallel_loop3A_280 = vector.shape_cast %parallel_loop3A_279 : vector<1x1x16xf32> to vector<16xf32>
      %parallel_loop3A_281 = vector.shape_cast %parallel_loop3A_274 : vector<16xf32> to vector<1x1x16xf32>
      tpu.vector_store %arg6[%parallel_loop3A_276, %parallel_loop3A_277, %parallel_loop3A_278], %parallel_loop3A_281 {strides = array<i32>} : memref<4x128x128xf32, #tpu.memory_space<vmem>>, vector<1x1x16xf32>,
      %parallel_loop3A_282 = arith.constant 2 : i32
      %parallel_loop3A_283 = arith.index_cast %parallel_loop3A_282 : i32 to index
      %parallel_loop3A_284 = arith.index_cast %parallel_loop3A_249 : i32 to index
      %parallel_loop3A_285 = arith.constant 32 : index
      %parallel_loop3A_286 = tpu.vector_load %arg6[%parallel_loop3A_283, %parallel_loop3A_284, %parallel_loop3A_285] {strides = array<i32>} : memref<4x128x128xf32, #tpu.memory_space<vmem>>, vector<1x1x16xf32>,
      %parallel_loop3A_287 = vector.shape_cast %parallel_loop3A_286 : vector<1x1x16xf32> to vector<16xf32>
      %parallel_loop3A_288 = arith.constant 1.250000e-01 : f32
      %parallel_loop3A_289 = vector.broadcast %parallel_loop3A_288 : f32 to vector<16xf32>
      %parallel_loop3A_290 = arith.mulf %parallel_loop3A_287, %parallel_loop3A_289 : vector<16xf32>
      %parallel_loop3A_291 = arith.constant 2 : i32
      %parallel_loop3A_292 = arith.index_cast %parallel_loop3A_291 : i32 to index
      %parallel_loop3A_293 = arith.index_cast %parallel_loop3A_249 : i32 to index
      %parallel_loop3A_294 = arith.constant 32 : index
      %parallel_loop3A_295 = tpu.vector_load %arg6[%parallel_loop3A_292, %parallel_loop3A_293, %parallel_loop3A_294] {strides = array<i32>} : memref<4x128x128xf32, #tpu.memory_space<vmem>>, vector<1x1x16xf32>,
      %parallel_loop3A_296 = vector.shape_cast %parallel_loop3A_295 : vector<1x1x16xf32> to vector<16xf32>
      %parallel_loop3A_297 = vector.shape_cast %parallel_loop3A_290 : vector<16xf32> to vector<1x1x16xf32>
      tpu.vector_store %arg6[%parallel_loop3A_292, %parallel_loop3A_293, %parallel_loop3A_294], %parallel_loop3A_297 {strides = array<i32>} : memref<4x128x128xf32, #tpu.memory_space<vmem>>, vector<1x1x16xf32>,
      %parallel_loop3A_298 = arith.constant 2 : i32
      %parallel_loop3A_299 = arith.index_cast %parallel_loop3A_298 : i32 to index
      %parallel_loop3A_300 = arith.index_cast %parallel_loop3A_249 : i32 to index
      %parallel_loop3A_301 = arith.constant 48 : index
      %parallel_loop3A_302 = tpu.vector_load %arg6[%parallel_loop3A_299, %parallel_loop3A_300, %parallel_loop3A_301] {strides = array<i32>} : memref<4x128x128xf32, #tpu.memory_space<vmem>>, vector<1x1x16xf32>,
      %parallel_loop3A_303 = vector.shape_cast %parallel_loop3A_302 : vector<1x1x16xf32> to vector<16xf32>
      %parallel_loop3A_304 = arith.constant 1.250000e-01 : f32
      %parallel_loop3A_305 = vector.broadcast %parallel_loop3A_304 : f32 to vector<16xf32>
      %parallel_loop3A_306 = arith.mulf %parallel_loop3A_303, %parallel_loop3A_305 : vector<16xf32>
      %parallel_loop3A_307 = arith.constant 2 : i32
      %parallel_loop3A_308 = arith.index_cast %parallel_loop3A_307 : i32 to index
      %parallel_loop3A_309 = arith.index_cast %parallel_loop3A_249 : i32 to index
      %parallel_loop3A_310 = arith.constant 48 : index
      %parallel_loop3A_311 = tpu.vector_load %arg6[%parallel_loop3A_308, %parallel_loop3A_309, %parallel_loop3A_310] {strides = array<i32>} : memref<4x128x128xf32, #tpu.memory_space<vmem>>, vector<1x1x16xf32>,
      %parallel_loop3A_312 = vector.shape_cast %parallel_loop3A_311 : vector<1x1x16xf32> to vector<16xf32>
      %parallel_loop3A_313 = vector.shape_cast %parallel_loop3A_306 : vector<16xf32> to vector<1x1x16xf32>
      tpu.vector_store %arg6[%parallel_loop3A_308, %parallel_loop3A_309, %parallel_loop3A_310], %parallel_loop3A_313 {strides = array<i32>} : memref<4x128x128xf32, #tpu.memory_space<vmem>>, vector<1x1x16xf32>,
    } {sc.loop_unroll_factor = 4 : i64, sc.parallel_access}
    %add3A_141 = arith.constant 25344 : i32
    %add3A_142 = arith.addi %mul3A_6, %add3A_141 : i32
    %dma_start3A_143 = arith.constant 2 : i32
    %dma_start3A_144 = arith.constant 0 : i32
    %dma_start3A_145 = arith.constant 0 : i32
    %dma_start3A_146 = tpu.memref_slice %arg6[%dma_start3A_143, %dma_start3A_144, %dma_start3A_145] : memref<4x128x128xf32, #tpu.memory_space<vmem>> -> memref<1x128x128xf32, #tpu.memory_space<vmem>>
    %dma_start3A_147 = tpu.memref_squeeze %dma_start3A_146 : memref<1x128x128xf32, #tpu.memory_space<vmem>> -> memref<128x128xf32, #tpu.memory_space<vmem>>
    %dma_start3A_148 = arith.constant 0 : i32
    %dma_start3A_149 = tpu.memref_slice %arg4[%add3A_142, %dma_start3A_148] : memref<819200x128xf32, #tpu.memory_space<hbm>> -> memref<128x128xf32, #tpu.memory_space<hbm>>
    %dma_start3A_150 = arith.constant 0 : i32
    %dma_start3A_151 = tpu.memref_slice %arg4[%add3A_142, %dma_start3A_150] : memref<819200x128xf32, #tpu.memory_space<hbm>> -> memref<128x128xf32, #tpu.memory_space<hbm>>
    %dma_start3A_152 = arith.constant 0 : i32
    %dma_start3A_153 = arith.constant 0 : i32
    %dma_start3A_154 = tpu.memref_slice %arg6[%dma_start3A_143, %dma_start3A_152, %dma_start3A_153] : memref<4x128x128xf32, #tpu.memory_space<vmem>> -> memref<1x128x128xf32, #tpu.memory_space<vmem>>
    %dma_start3A_155 = tpu.memref_squeeze %dma_start3A_154 : memref<1x128x128xf32, #tpu.memory_space<vmem>> -> memref<128x128xf32, #tpu.memory_space<vmem>>
    tpu.enqueue_dma source(%dma_start3A_155 : memref<128x128xf32, #tpu.memory_space<vmem>>) target(%dma_start3A_151 : memref<128x128xf32, #tpu.memory_space<hbm>>) target_semaphore(%arg13 : memref<!tpu.dma_semaphore, #tpu.memory_space<semaphore_mem>>)
    %dma_wait3A_156 = arith.constant 3 : i32
    %dma_wait3A_157 = arith.constant 0 : i32
    %dma_wait3A_158 = arith.constant 0 : i32
    %dma_wait3A_159 = tpu.memref_slice %arg6[%dma_wait3A_156, %dma_wait3A_157, %dma_wait3A_158] : memref<4x128x128xf32, #tpu.memory_space<vmem>> -> memref<1x128x128xf32, #tpu.memory_space<vmem>>
    %dma_wait3A_160 = tpu.memref_squeeze %dma_wait3A_159 : memref<1x128x128xf32, #tpu.memory_space<vmem>> -> memref<128x128xf32, #tpu.memory_space<vmem>>
    %dma_wait3A_161 = arith.constant 0 : i32
    %dma_wait3A_162 = arith.constant 0 : i32
    %dma_wait3A_163 = tpu.memref_slice %arg3[%dma_wait3A_161, %dma_wait3A_162] : memref<1000000x128xf32, #tpu.memory_space<hbm>> -> memref<128x128xf32, #tpu.memory_space<hbm>>
    %dma_wait3A_164 = arith.constant 0 : i32
    %dma_wait3A_165 = arith.constant 0 : i32
    %dma_wait3A_166 = tpu.memref_slice %arg6[%dma_wait3A_156, %dma_wait3A_164, %dma_wait3A_165] : memref<4x128x128xf32, #tpu.memory_space<vmem>> -> memref<1x128x128xf32, #tpu.memory_space<vmem>>
    %dma_wait3A_167 = tpu.memref_squeeze %dma_wait3A_166 : memref<1x128x128xf32, #tpu.memory_space<vmem>> -> memref<128x128xf32, #tpu.memory_space<vmem>>
    %dma_wait3A_168 = arith.constant 0 : i32
    %dma_wait3A_169 = arith.constant 0 : i32
    %dma_wait3A_170 = tpu.memref_slice %arg3[%dma_wait3A_168, %dma_wait3A_169] : memref<1000000x128xf32, #tpu.memory_space<hbm>> -> memref<128x128xf32, #tpu.memory_space<hbm>>
    tpu.wait_dma2 semaphore(%arg10 : memref<!tpu.dma_semaphore, #tpu.memory_space<semaphore_mem>>) src(%dma_wait3A_170 : memref<128x128xf32, #tpu.memory_space<hbm>>) dst(%dma_wait3A_167 : memref<128x128xf32, #tpu.memory_space<vmem>>)
    %parallel_loop3A_171 = arith.constant 0 : i32
    %parallel_loop3A_172 = arith.constant 128 : i32
    %parallel_loop3A_173 = arith.constant 1 : i32
    scf.for %parallel_loop3A_249 = %parallel_loop3A_171 to %parallel_loop3A_172 step %parallel_loop3A_173  : i32 {
      %parallel_loop3A_250 = arith.constant 3 : i32
      %parallel_loop3A_251 = arith.index_cast %parallel_loop3A_250 : i32 to index
      %parallel_loop3A_252 = arith.index_cast %parallel_loop3A_249 : i32 to index
      %parallel_loop3A_253 = arith.constant 0 : index
      %parallel_loop3A_254 = tpu.vector_load %arg6[%parallel_loop3A_251, %parallel_loop3A_252, %parallel_loop3A_253] {strides = array<i32>} : memref<4x128x128xf32, #tpu.memory_space<vmem>>, vector<1x1x16xf32>,
      %parallel_loop3A_255 = vector.shape_cast %parallel_loop3A_254 : vector<1x1x16xf32> to vector<16xf32>
      %parallel_loop3A_256 = arith.constant 1.250000e-01 : f32
      %parallel_loop3A_257 = vector.broadcast %parallel_loop3A_256 : f32 to vector<16xf32>
      %parallel_loop3A_258 = arith.mulf %parallel_loop3A_255, %parallel_loop3A_257 : vector<16xf32>
      %parallel_loop3A_259 = arith.constant 3 : i32
      %parallel_loop3A_260 = arith.index_cast %parallel_loop3A_259 : i32 to index
      %parallel_loop3A_261 = arith.index_cast %parallel_loop3A_249 : i32 to index
      %parallel_loop3A_262 = arith.constant 0 : index
      %parallel_loop3A_263 = tpu.vector_load %arg6[%parallel_loop3A_260, %parallel_loop3A_261, %parallel_loop3A_262] {strides = array<i32>} : memref<4x128x128xf32, #tpu.memory_space<vmem>>, vector<1x1x16xf32>,
      %parallel_loop3A_264 = vector.shape_cast %parallel_loop3A_263 : vector<1x1x16xf32> to vector<16xf32>
      %parallel_loop3A_265 = vector.shape_cast %parallel_loop3A_258 : vector<16xf32> to vector<1x1x16xf32>
      tpu.vector_store %arg6[%parallel_loop3A_260, %parallel_loop3A_261, %parallel_loop3A_262], %parallel_loop3A_265 {strides = array<i32>} : memref<4x128x128xf32, #tpu.memory_space<vmem>>, vector<1x1x16xf32>,
      %parallel_loop3A_266 = arith.constant 3 : i32
      %parallel_loop3A_267 = arith.index_cast %parallel_loop3A_266 : i32 to index
      %parallel_loop3A_268 = arith.index_cast %parallel_loop3A_249 : i32 to index
      %parallel_loop3A_269 = arith.constant 16 : index
      %parallel_loop3A_270 = tpu.vector_load %arg6[%parallel_loop3A_267, %parallel_loop3A_268, %parallel_loop3A_269] {strides = array<i32>} : memref<4x128x128xf32, #tpu.memory_space<vmem>>, vector<1x1x16xf32>,
      %parallel_loop3A_271 = vector.shape_cast %parallel_loop3A_270 : vector<1x1x16xf32> to vector<16xf32>
      %parallel_loop3A_272 = arith.constant 1.250000e-01 : f32
      %parallel_loop3A_273 = vector.broadcast %parallel_loop3A_272 : f32 to vector<16xf32>
      %parallel_loop3A_274 = arith.mulf %parallel_loop3A_271, %parallel_loop3A_273 : vector<16xf32>
      %parallel_loop3A_275 = arith.constant 3 : i32
      %parallel_loop3A_276 = arith.index_cast %parallel_loop3A_275 : i32 to index
      %parallel_loop3A_277 = arith.index_cast %parallel_loop3A_249 : i32 to index
      %parallel_loop3A_278 = arith.constant 16 : index
      %parallel_loop3A_279 = tpu.vector_load %arg6[%parallel_loop3A_276, %parallel_loop3A_277, %parallel_loop3A_278] {strides = array<i32>} : memref<4x128x128xf32, #tpu.memory_space<vmem>>, vector<1x1x16xf32>,
      %parallel_loop3A_280 = vector.shape_cast %parallel_loop3A_279 : vector<1x1x16xf32> to vector<16xf32>
      %parallel_loop3A_281 = vector.shape_cast %parallel_loop3A_274 : vector<16xf32> to vector<1x1x16xf32>
      tpu.vector_store %arg6[%parallel_loop3A_276, %parallel_loop3A_277, %parallel_loop3A_278], %parallel_loop3A_281 {strides = array<i32>} : memref<4x128x128xf32, #tpu.memory_space<vmem>>, vector<1x1x16xf32>,
      %parallel_loop3A_282 = arith.constant 3 : i32
      %parallel_loop3A_283 = arith.index_cast %parallel_loop3A_282 : i32 to index
      %parallel_loop3A_284 = arith.index_cast %parallel_loop3A_249 : i32 to index
      %parallel_loop3A_285 = arith.constant 32 : index
      %parallel_loop3A_286 = tpu.vector_load %arg6[%parallel_loop3A_283, %parallel_loop3A_284, %parallel_loop3A_285] {strides = array<i32>} : memref<4x128x128xf32, #tpu.memory_space<vmem>>, vector<1x1x16xf32>,
      %parallel_loop3A_287 = vector.shape_cast %parallel_loop3A_286 : vector<1x1x16xf32> to vector<16xf32>
      %parallel_loop3A_288 = arith.constant 1.250000e-01 : f32
      %parallel_loop3A_289 = vector.broadcast %parallel_loop3A_288 : f32 to vector<16xf32>
      %parallel_loop3A_290 = arith.mulf %parallel_loop3A_287, %parallel_loop3A_289 : vector<16xf32>
      %parallel_loop3A_291 = arith.constant 3 : i32
      %parallel_loop3A_292 = arith.index_cast %parallel_loop3A_291 : i32 to index
      %parallel_loop3A_293 = arith.index_cast %parallel_loop3A_249 : i32 to index
      %parallel_loop3A_294 = arith.constant 32 : index
      %parallel_loop3A_295 = tpu.vector_load %arg6[%parallel_loop3A_292, %parallel_loop3A_293, %parallel_loop3A_294] {strides = array<i32>} : memref<4x128x128xf32, #tpu.memory_space<vmem>>, vector<1x1x16xf32>,
      %parallel_loop3A_296 = vector.shape_cast %parallel_loop3A_295 : vector<1x1x16xf32> to vector<16xf32>
      %parallel_loop3A_297 = vector.shape_cast %parallel_loop3A_290 : vector<16xf32> to vector<1x1x16xf32>
      tpu.vector_store %arg6[%parallel_loop3A_292, %parallel_loop3A_293, %parallel_loop3A_294], %parallel_loop3A_297 {strides = array<i32>} : memref<4x128x128xf32, #tpu.memory_space<vmem>>, vector<1x1x16xf32>,
      %parallel_loop3A_298 = arith.constant 3 : i32
      %parallel_loop3A_299 = arith.index_cast %parallel_loop3A_298 : i32 to index
      %parallel_loop3A_300 = arith.index_cast %parallel_loop3A_249 : i32 to index
      %parallel_loop3A_301 = arith.constant 48 : index
      %parallel_loop3A_302 = tpu.vector_load %arg6[%parallel_loop3A_299, %parallel_loop3A_300, %parallel_loop3A_301] {strides = array<i32>} : memref<4x128x128xf32, #tpu.memory_space<vmem>>, vector<1x1x16xf32>,
      %parallel_loop3A_303 = vector.shape_cast %parallel_loop3A_302 : vector<1x1x16xf32> to vector<16xf32>
      %parallel_loop3A_304 = arith.constant 1.250000e-01 : f32
      %parallel_loop3A_305 = vector.broadcast %parallel_loop3A_304 : f32 to vector<16xf32>
      %parallel_loop3A_306 = arith.mulf %parallel_loop3A_303, %parallel_loop3A_305 : vector<16xf32>
      %parallel_loop3A_307 = arith.constant 3 : i32
      %parallel_loop3A_308 = arith.index_cast %parallel_loop3A_307 : i32 to index
      %parallel_loop3A_309 = arith.index_cast %parallel_loop3A_249 : i32 to index
      %parallel_loop3A_310 = arith.constant 48 : index
      %parallel_loop3A_311 = tpu.vector_load %arg6[%parallel_loop3A_308, %parallel_loop3A_309, %parallel_loop3A_310] {strides = array<i32>} : memref<4x128x128xf32, #tpu.memory_space<vmem>>, vector<1x1x16xf32>,
      %parallel_loop3A_312 = vector.shape_cast %parallel_loop3A_311 : vector<1x1x16xf32> to vector<16xf32>
      %parallel_loop3A_313 = vector.shape_cast %parallel_loop3A_306 : vector<16xf32> to vector<1x1x16xf32>
      tpu.vector_store %arg6[%parallel_loop3A_308, %parallel_loop3A_309, %parallel_loop3A_310], %parallel_loop3A_313 {strides = array<i32>} : memref<4x128x128xf32, #tpu.memory_space<vmem>>, vector<1x1x16xf32>,
    } {sc.loop_unroll_factor = 4 : i64, sc.parallel_access}
    %add3A_174 = arith.constant 25472 : i32
    %add3A_175 = arith.addi %mul3A_6, %add3A_174 : i32
    %dma_start3A_176 = arith.constant 3 : i32
    %dma_start3A_177 = arith.constant 0 : i32
    %dma_start3A_178 = arith.constant 0 : i32
    %dma_start3A_179 = tpu.memref_slice %arg6[%dma_start3A_176, %dma_start3A_177, %dma_start3A_178] : memref<4x128x128xf32, #tpu.memory_space<vmem>> -> memref<1x128x128xf32, #tpu.memory_space<vmem>>
    %dma_start3A_180 = tpu.memref_squeeze %dma_start3A_179 : memref<1x128x128xf32, #tpu.memory_space<vmem>> -> memref<128x128xf32, #tpu.memory_space<vmem>>
    %dma_start3A_181 = arith.constant 0 : i32
    %dma_start3A_182 = tpu.memref_slice %arg4[%add3A_175, %dma_start3A_181] : memref<819200x128xf32, #tpu.memory_space<hbm>> -> memref<128x128xf32, #tpu.memory_space<hbm>>
    %dma_start3A_183 = arith.constant 0 : i32
    %dma_start3A_184 = tpu.memref_slice %arg4[%add3A_175, %dma_start3A_183] : memref<819200x128xf32, #tpu.memory_space<hbm>> -> memref<128x128xf32, #tpu.memory_space<hbm>>
    %dma_start3A_185 = arith.constant 0 : i32
    %dma_start3A_186 = arith.constant 0 : i32
    %dma_start3A_187 = tpu.memref_slice %arg6[%dma_start3A_176, %dma_start3A_185, %dma_start3A_186] : memref<4x128x128xf32, #tpu.memory_space<vmem>> -> memref<1x128x128xf32, #tpu.memory_space<vmem>>
    %dma_start3A_188 = tpu.memref_squeeze %dma_start3A_187 : memref<1x128x128xf32, #tpu.memory_space<vmem>> -> memref<128x128xf32, #tpu.memory_space<vmem>>
    tpu.enqueue_dma source(%dma_start3A_188 : memref<128x128xf32, #tpu.memory_space<vmem>>) target(%dma_start3A_184 : memref<128x128xf32, #tpu.memory_space<hbm>>) target_semaphore(%arg14 : memref<!tpu.dma_semaphore, #tpu.memory_space<semaphore_mem>>)
    %dma_wait3A_189 = arith.constant 0 : i32
    %dma_wait3A_190 = arith.constant 0 : i32
    %dma_wait3A_191 = arith.constant 0 : i32
    %dma_wait3A_192 = tpu.memref_slice %arg6[%dma_wait3A_189, %dma_wait3A_190, %dma_wait3A_191] : memref<4x128x128xf32, #tpu.memory_space<vmem>> -> memref<1x128x128xf32, #tpu.memory_space<vmem>>
    %dma_wait3A_193 = tpu.memref_squeeze %dma_wait3A_192 : memref<1x128x128xf32, #tpu.memory_space<vmem>> -> memref<128x128xf32, #tpu.memory_space<vmem>>
    %dma_wait3A_194 = arith.constant 0 : i32
    %dma_wait3A_195 = arith.constant 0 : i32
    %dma_wait3A_196 = tpu.memref_slice %arg4[%dma_wait3A_194, %dma_wait3A_195] : memref<819200x128xf32, #tpu.memory_space<hbm>> -> memref<128x128xf32, #tpu.memory_space<hbm>>
    %dma_wait3A_197 = arith.constant 0 : i32
    %dma_wait3A_198 = arith.constant 0 : i32
    %dma_wait3A_199 = tpu.memref_slice %arg4[%dma_wait3A_197, %dma_wait3A_198] : memref<819200x128xf32, #tpu.memory_space<hbm>> -> memref<128x128xf32, #tpu.memory_space<hbm>>
    %dma_wait3A_200 = arith.constant 0 : i32
    %dma_wait3A_201 = arith.constant 0 : i32
    %dma_wait3A_202 = tpu.memref_slice %arg6[%dma_wait3A_189, %dma_wait3A_200, %dma_wait3A_201] : memref<4x128x128xf32, #tpu.memory_space<vmem>> -> memref<1x128x128xf32, #tpu.memory_space<vmem>>
    %dma_wait3A_203 = tpu.memref_squeeze %dma_wait3A_202 : memref<1x128x128xf32, #tpu.memory_space<vmem>> -> memref<128x128xf32, #tpu.memory_space<vmem>>
    tpu.wait_dma2 semaphore(%arg11 : memref<!tpu.dma_semaphore, #tpu.memory_space<semaphore_mem>>) src(%dma_wait3A_203 : memref<128x128xf32, #tpu.memory_space<vmem>>) dst(%dma_wait3A_199 : memref<128x128xf32, #tpu.memory_space<hbm>>)
    %dma_wait3A_204 = arith.constant 1 : i32
    %dma_wait3A_205 = arith.constant 0 : i32
    %dma_wait3A_206 = arith.constant 0 : i32
    %dma_wait3A_207 = tpu.memref_slice %arg6[%dma_wait3A_204, %dma_wait3A_205, %dma_wait3A_206] : memref<4x128x128xf32, #tpu.memory_space<vmem>> -> memref<1x128x128xf32, #tpu.memory_space<vmem>>
    %dma_wait3A_208 = tpu.memref_squeeze %dma_wait3A_207 : memref<1x128x128xf32, #tpu.memory_space<vmem>> -> memref<128x128xf32, #tpu.memory_space<vmem>>
    %dma_wait3A_209 = arith.constant 0 : i32
    %dma_wait3A_210 = arith.constant 0 : i32
    %dma_wait3A_211 = tpu.memref_slice %arg4[%dma_wait3A_209, %dma_wait3A_210] : memref<819200x128xf32, #tpu.memory_space<hbm>> -> memref<128x128xf32, #tpu.memory_space<hbm>>
    %dma_wait3A_212 = arith.constant 0 : i32
    %dma_wait3A_213 = arith.constant 0 : i32
    %dma_wait3A_214 = tpu.memref_slice %arg4[%dma_wait3A_212, %dma_wait3A_213] : memref<819200x128xf32, #tpu.memory_space<hbm>> -> memref<128x128xf32, #tpu.memory_space<hbm>>
    %dma_wait3A_215 = arith.constant 0 : i32
    %dma_wait3A_216 = arith.constant 0 : i32
    %dma_wait3A_217 = tpu.memref_slice %arg6[%dma_wait3A_204, %dma_wait3A_215, %dma_wait3A_216] : memref<4x128x128xf32, #tpu.memory_space<vmem>> -> memref<1x128x128xf32, #tpu.memory_space<vmem>>
    %dma_wait3A_218 = tpu.memref_squeeze %dma_wait3A_217 : memref<1x128x128xf32, #tpu.memory_space<vmem>> -> memref<128x128xf32, #tpu.memory_space<vmem>>
    tpu.wait_dma2 semaphore(%arg12 : memref<!tpu.dma_semaphore, #tpu.memory_space<semaphore_mem>>) src(%dma_wait3A_218 : memref<128x128xf32, #tpu.memory_space<vmem>>) dst(%dma_wait3A_214 : memref<128x128xf32, #tpu.memory_space<hbm>>)
    %dma_wait3A_219 = arith.constant 2 : i32
    %dma_wait3A_220 = arith.constant 0 : i32
    %dma_wait3A_221 = arith.constant 0 : i32
    %dma_wait3A_222 = tpu.memref_slice %arg6[%dma_wait3A_219, %dma_wait3A_220, %dma_wait3A_221] : memref<4x128x128xf32, #tpu.memory_space<vmem>> -> memref<1x128x128xf32, #tpu.memory_space<vmem>>
    %dma_wait3A_223 = tpu.memref_squeeze %dma_wait3A_222 : memref<1x128x128xf32, #tpu.memory_space<vmem>> -> memref<128x128xf32, #tpu.memory_space<vmem>>
    %dma_wait3A_224 = arith.constant 0 : i32
    %dma_wait3A_225 = arith.constant 0 : i32
    %dma_wait3A_226 = tpu.memref_slice %arg4[%dma_wait3A_224, %dma_wait3A_225] : memref<819200x128xf32, #tpu.memory_space<hbm>> -> memref<128x128xf32, #tpu.memory_space<hbm>>
    %dma_wait3A_227 = arith.constant 0 : i32
    %dma_wait3A_228 = arith.constant 0 : i32
    %dma_wait3A_229 = tpu.memref_slice %arg4[%dma_wait3A_227, %dma_wait3A_228] : memref<819200x128xf32, #tpu.memory_space<hbm>> -> memref<128x128xf32, #tpu.memory_space<hbm>>
    %dma_wait3A_230 = arith.constant 0 : i32
    %dma_wait3A_231 = arith.constant 0 : i32
    %dma_wait3A_232 = tpu.memref_slice %arg6[%dma_wait3A_219, %dma_wait3A_230, %dma_wait3A_231] : memref<4x128x128xf32, #tpu.memory_space<vmem>> -> memref<1x128x128xf32, #tpu.memory_space<vmem>>
    %dma_wait3A_233 = tpu.memref_squeeze %dma_wait3A_232 : memref<1x128x128xf32, #tpu.memory_space<vmem>> -> memref<128x128xf32, #tpu.memory_space<vmem>>
    tpu.wait_dma2 semaphore(%arg13 : memref<!tpu.dma_semaphore, #tpu.memory_space<semaphore_mem>>) src(%dma_wait3A_233 : memref<128x128xf32, #tpu.memory_space<vmem>>) dst(%dma_wait3A_229 : memref<128x128xf32, #tpu.memory_space<hbm>>)
    %dma_wait3A_234 = arith.constant 3 : i32
    %dma_wait3A_235 = arith.constant 0 : i32
    %dma_wait3A_236 = arith.constant 0 : i32
    %dma_wait3A_237 = tpu.memref_slice %arg6[%dma_wait3A_234, %dma_wait3A_235, %dma_wait3A_236] : memref<4x128x128xf32, #tpu.memory_space<vmem>> -> memref<1x128x128xf32, #tpu.memory_space<vmem>>
    %dma_wait3A_238 = tpu.memref_squeeze %dma_wait3A_237 : memref<1x128x128xf32, #tpu.memory_space<vmem>> -> memref<128x128xf32, #tpu.memory_space<vmem>>
    %dma_wait3A_239 = arith.constant 0 : i32
    %dma_wait3A_240 = arith.constant 0 : i32
    %dma_wait3A_241 = tpu.memref_slice %arg4[%dma_wait3A_239, %dma_wait3A_240] : memref<819200x128xf32, #tpu.memory_space<hbm>> -> memref<128x128xf32, #tpu.memory_space<hbm>>
    %dma_wait3A_242 = arith.constant 0 : i32
    %dma_wait3A_243 = arith.constant 0 : i32
    %dma_wait3A_244 = tpu.memref_slice %arg4[%dma_wait3A_242, %dma_wait3A_243] : memref<819200x128xf32, #tpu.memory_space<hbm>> -> memref<128x128xf32, #tpu.memory_space<hbm>>
    %dma_wait3A_245 = arith.constant 0 : i32
    %dma_wait3A_246 = arith.constant 0 : i32
    %dma_wait3A_247 = tpu.memref_slice %arg6[%dma_wait3A_234, %dma_wait3A_245, %dma_wait3A_246] : memref<4x128x128xf32, #tpu.memory_space<vmem>> -> memref<1x128x128xf32, #tpu.memory_space<vmem>>
    %dma_wait3A_248 = tpu.memref_squeeze %dma_wait3A_247 : memref<1x128x128xf32, #tpu.memory_space<vmem>> -> memref<128x128xf32, #tpu.memory_space<vmem>>
    tpu.wait_dma2 semaphore(%arg14 : memref<!tpu.dma_semaphore, #tpu.memory_space<semaphore_mem>>) src(%dma_wait3A_248 : memref<128x128xf32, #tpu.memory_space<vmem>>) dst(%dma_wait3A_244 : memref<128x128xf32, #tpu.memory_space<hbm>>)
    return
  }
}

</mosaic_0001>

<sc_bundles>
// kernel: kernel.3.cloned.1.call-start
scs
__scs_entry_jumppad:
0x0: {  	(pc) =	sbr.rel $0x88, $3  }
0x1: {  	(tag) =	ssettag $0x0;
	lr =	simm.s32 $0x1  }
0x2: {  	[smem:$0x3F9F] =	sst lr;
	_ =	strace $0xD0000000  }
0x3: {  	_ = 	snop  }
0x4: {  	_ = 	snop  }
0x5: {  	_ = 	snop  }
0x6: {  	_ = 	snop  }
0x7: {  	_ = 	snop  }
__scs_overlays_trampoline_lowered:
0x8: {  	[smem:$0x3FAE] =	sst s0  }
0x9: {  	[smem:$0x3FAF] =	sst s1  }
0xa: {  	[smem:$0x3FB0] =	sst s2  }
0xb: {  	[smem:$0x3FB1] =	sst s3  }
0xc: {  	[smem:$0x3FB2] =	sst s4  }
0xd: {  	[smem:$0x3FB3] =	sst s5  }
0xe: {  	[smem:$0x3FB4] =	sst s6  }
0xf: {  	[smem:$0x3FB5] =	sst s7  }
0x10: {  	[smem:$0x3FB6] =	sst s8  }
0x11: {  	[smem:$0x3FB7] =	sst s9;
	s0 =	simm.s32 @!p0 $0x0  }
0x12: {  	s1 =	sld [smem:$0x3F9D];
	s0 =	simm.s32 @p0 $0x1  }
0x13: {  	[smem:$0x3FB8] =	sst s0;
	s0 =	simm.s32 @!p1 $0x0  }
0x14: {  	s2 =	sld [smem:$0x3F9C];
	s0 =	simm.s32 @p1 $0x1  }
0x15: {  	[smem:$0x3FB9] =	sst s0;
	s0 =	simm.s32 @!p2 $0x0  }
0x16: {  	s3 =	sld [smem:$0x3FDB];
	s0 =	simm.s32 @p2 $0x1  }
0x17: {  	s4 =	simm.s32 $0x1BF5;
	[smem:$0x3FBB] =	sst s0  }
0x18: {  	s0 =	sld [smem:$0x3F9E];
	_ =	swait.ge [sflag:s4], $0x0  }
0x19: {  	s7 =	sld [smem:$0x3F9F]  }
0x1a: {  	s8 =	sadd.s32 $0xFFFFE003, lr  }
0x1b: {  	s9 =	sadd.s32 $0xFFFFFEF7, lr;
	s5 =	simm.s32 $0xFFFFFFFF;
	p2 =	slt.u32 s8, $0xFFFFF086  }
0x1c: {  	p1 =	slt.u32 s9, $0xF7A;
	s5 =	simm.s32 @!p2 $0x0  }
0x1d: {  	s5 =	simm.s32 @p1 $0x1;
	p0 =	seq.s32 s7, s2  }
0x1e: {  	s7 =	smul.u32 @!p0 $0xF7A, s2;
	p2 =	seq.s32 @!p0 s5, $0x0  }
0x1f: {  	s9 =	smul.u32 $0xF7A, s1;
	s8 =	simm.s32 @!p0 $0x1BF5;
	p2 =	por !p2, p0  }
0x20: {  	[sflag:s8] =	ssyncset.s32 @!p0 $0xFFFFF086;
	s6 =	sadd.s32 @!p0 s3, s7;
	s7 =	simm.s32 @!p0 $0x108  }
0x21: {  	s3 =	sadd.s32 s3, s9;
	s6 =	sadd.s32 @!p0 $0x88, s6;
	s7 =	simm.s32 @p2 $0x1082  }
0x22: {  	[simem:s7], [sflag:s8] =	dma.local @!p0 [hbm:s6], $0xF7A  }
0x23: {  	s9 =	sor.u32 $0xD0000000, s2;
	s6 =	simm.s32 $0x108;
	_ =	swait.ge @!p0 [sflag:s8], $0x0  }
0x24: {  	s3 =	sadd.s32 $0x88, s3;
	s6 =	simm.s32 @!p1 $0x1082;
	[sflag:s4] =	ssyncset.s32 $0xFFFFF086  }
0x25: {  	[simem:s6], [sflag:s4] =	dma.local [hbm:s3], $0xF7A  }
0x26: {  	[smem:$0x3F9F] =	sst s1;
	(tag) =	ssettag s2;
	_ =	strace s9  }
0x27: {  	s1 =	sld [smem:$0x3FAF]  }
0x28: {  	s2 =	sld [smem:$0x3FB0]  }
0x29: {  	s4 =	sld [smem:$0x3FB2]  }
0x2a: {  	p0 =	seq.s32 s5, $0x0;
	s5 =	sld [smem:$0x3FB3]  }
0x2b: {  	s6 =	sld [smem:$0x3FB4]  }
0x2c: {  	s7 =	sld [smem:$0x3FB5]  }
0x2d: {  	s3 =	simm.s32 $0x108;
	s8 =	sld [smem:$0x3FB6]  }
0x2e: {  	s3 =	simm.s32 @!p0 $0x1082;
	s9 =	sld [smem:$0x3FB7]  }
0x2f: {  	lr =	sadd.s32 s0, s3;
	s0 =	sld [smem:$0x3FAE]  }
0x30: {  	s3 =	sld [smem:$0x3FB1]  }
0x31: {  	[smem:$0x3FBA] =	sst s10  }
0x32: {  	s10 =	sld [smem:$0x3FB8];
	_ =	sdelay $0x3  }
0x33: {  	p0 =	seq.s32 s10, $0x1;
	s10 =	sld [smem:$0x3FBA];
	_ =	sdelay $0x3  }
0x34: {  	[smem:$0x3FBA] =	sst s10  }
0x35: {  	s10 =	sld [smem:$0x3FB9];
	_ =	sdelay $0x3  }
0x36: {  	p1 =	seq.s32 s10, $0x1;
	s10 =	sld [smem:$0x3FBA];
	_ =	sdelay $0x3  }
0x37: {  	[smem:$0x3FBA] =	sst s10  }
0x38: {  	s10 =	sld [smem:$0x3FBB]  }
0x39: {  	_ = 	snop;
	(pc) =	sbr.ind lr, $3  }
0x3a: {  	_ = 	snop  }
0x3b: {  	_ = 	snop  }
0x3c: {  	p2 =	seq.s32 s10, $0x1;
	s10 =	sld [smem:$0x3FBA]  }
0x3d: {  	_ =	shalt  }
0x3e: {  	_ =	shalt  }
0x3f: {  	_ =	shalt  }
0x40: {  	_ =	shalt  }
0x41: {  	_ =	shalt  }
0x42: {  	_ =	shalt  }
0x43: {  	_ =	shalt  }
0x44: {  	_ =	shalt  }
0x45: {  	_ =	shalt  }
0x46: {  	_ =	shalt  }
0x47: {  	_ =	shalt  }
0x48: {  	_ =	shalt  }
0x49: {  	_ =	shalt  }
0x4a: {  	_ =	shalt  }
0x4b: {  	_ =	shalt  }
0x4c: {  	_ =	shalt  }
0x4d: {  	_ =	shalt  }
0x4e: {  	_ =	shalt  }
0x4f: {  	_ =	shalt  }
0x50: {  	_ =	shalt  }
0x51: {  	_ =	shalt  }
0x52: {  	_ =	shalt  }
0x53: {  	_ =	shalt  }
0x54: {  	_ =	shalt  }
0x55: {  	_ =	shalt  }
0x56: {  	_ =	shalt  }
0x57: {  	_ =	shalt  }
0x58: {  	_ =	shalt  }
0x59: {  	_ =	shalt  }
0x5a: {  	_ =	shalt  }
0x5b: {  	_ =	shalt  }
0x5c: {  	_ =	shalt  }
0x5d: {  	_ =	shalt  }
0x5e: {  	_ =	shalt  }
0x5f: {  	_ =	shalt  }
0x60: {  	_ =	shalt  }
0x61: {  	_ =	shalt  }
0x62: {  	_ =	shalt  }
0x63: {  	_ =	shalt  }
0x64: {  	_ =	shalt  }
0x65: {  	_ =	shalt  }
0x66: {  	_ =	shalt  }
0x67: {  	_ =	shalt  }
0x68: {  	_ =	shalt  }
0x69: {  	_ =	shalt  }
0x6a: {  	_ =	shalt  }
0x6b: {  	_ =	shalt  }
0x6c: {  	_ =	shalt  }
0x6d: {  	_ =	shalt  }
0x6e: {  	_ =	shalt  }
0x6f: {  	_ =	shalt  }
0x70: {  	_ =	shalt  }
0x71: {  	_ =	shalt  }
0x72: {  	_ =	shalt  }
0x73: {  	_ =	shalt  }
0x74: {  	_ =	shalt  }
0x75: {  	_ =	shalt  }
0x76: {  	_ =	shalt  }
0x77: {  	_ =	shalt  }
0x78: {  	_ =	shalt  }
0x79: {  	_ =	shalt  }
0x7a: {  	_ =	shalt  }
0x7b: {  	_ =	shalt  }
0x7c: {  	_ =	shalt  }
0x7d: {  	_ =	shalt  }
0x7e: {  	_ =	shalt  }
0x7f: {  	_ =	shalt  }
0x80: {  	_ =	shalt  }
0x81: {  	_ =	shalt  }
0x82: {  	_ =	shalt  }
0x83: {  	_ =	shalt  }
0x84: {  	_ =	shalt  }
0x85: {  	_ =	shalt  }
0x86: {  	_ =	shalt  }
0x87: {  	_ =	shalt  }
.Lfunc_end0:
.L_simem_size_0:
called_computation.1_lowered:
.L_overlay_start_0:
0x88: {  	s2 =	sld [smem:$0x3FD9]  }
0x89: {  	s3 =	sld [smem:$0x3FFE];
	_ =	sdelay $0x1  }
0x8a: {  	s1 =	srdreg.scid  }
0x8b: {  	s0 =	sand.u32 $0x1, s1  }
0x8c: {  	s17 =	sshll.u32 s0, $0xA;
	s2 =	sadd.s32 s3, s2  }
0x8d: {  	s2 =	sadd.s32 s2, s17  }
0x8e: {  	[smem:$0x3FC6] =	sst s2  }
0x8f: {  	_ = 	snop  }
0x90: {  	s2 =	sld [smem:$0x3FD0];
	(tm) =	ssettm $0x1  }
0x91: {  	s18 =	sld [smem:$0x3FFB];
	_ =	sdelay $0x3  }
0x92: {  	_ =	strace s18  }
0x93: {  	s3 =	sld [smem:$0x3FFC];
	_ =	sdelay $0x3  }
0x94: {  	_ =	strace s3  }
0x95: {  	s3 =	sld [smem:$0x3FFD];
	_ =	sdelay $0x3  }
0x96: {  	_ =	strace s3  }
0x97: {  	_ =	strace $0x8FFFFFFF  }
0x98: {  	s19 =	sld [smem:$0x3FDB];
	_ =	sdelay $0x1  }
0x99: {  	s4 =	simm.s32 $_scs_section_size  }
0x9a: {  	s5 =	simm.s32 $_size__tile_overlayer_lowered;
	s6 =	simm.s32 $_tile_overlayer_lowered  }
0x9b: {  	s22 =	simm.s32 $0x1BFF;
	s21 =	sshll.u32 s6, $0x1;
	s3 =	sadd.s32 s4, s19  }
0x9c: {  	s7 =	simm.s32 $0x0;
	s20 =	sshll.u32 s5, $0x1;
	s5 =	sadd.s32 s21, s3  }
0x9d: {  	[timem:s7], [sflag:s22] =	dma.local [hbm:s5], s20  }
0x9e: {  	_ =	swait.ge [sflag:s22], s20  }
0x9f: {  	s4 =	ssub.s32 $0x0, s20;
	[sflag:s22] =	ssyncset.done $0x0  }
0xa0: {  	[sflag:s22] =	ssyncadd.s32 s4;
	_ =	sdelay $0x1  }
0xa1: {  	s23 =	simm.s32 $0x1B8B  }
0xa2: {  	_ =	swait.ge [sflag:s23], $0x1  }
0xa3: {  	[sflag:s23] =	ssyncset.done $0x0  }
0xa4: {  	s25 =	simm.s32 $0x1B8E;
	s24 =	sld [smem:$0x3FFE];
	[sflag:s23] =	ssyncadd.s32 $0xFFFFFFFF  }
0xa5: {  	s26 =	simm.s32 $execute0_lowered;
	[smem:$0x3FD2] =	sst s25  }
0xa6: {  	s5 =	sshll.u32 s26, $0x1;
	_ =	strace $0x80000046;
	[dreg:$0x1] =	wrdreg $0xFFFFFFFF  }
0xa7: {  	s28 =	simm.s32 $_size_execute0_lowered;
	s3 =	sadd.s32 s3, s5;
	[dreg:$0x0] =	wrdreg $0x0  }
0xa8: {  	s5 =	sshll.u32 s28, $0x1;
	[dreg:$0x2] =	wrdreg s3  }
0xa9: {  	[dreg:$0x3] =	wrdreg s5  }
0xaa: {  	[dreg:$0x4] =	wrdreg $0xC0  }
0xab: {  	_ =	task [dreg:s7], $0x5FFFF  }
0xac: {  	[dreg:$0x1] =	wrdreg $0xFFFFFFFF  }
0xad: {  	[dreg:$0x0] =	wrdreg $0x60  }
0xae: {  	[dreg:$0x2] =	wrdreg s2  }
0xaf: {  	[dreg:$0x3] =	wrdreg s24  }
0xb0: {  	[dreg:$0x4] =	wrdreg $0x9  }
0xb1: {  	_ =	task.clear_ibuf [dreg:s7], $0x5FFFF;
	_ =	strace $0x90000046  }
0xb2: {  	s29 =	simm.s32 $0x9;
	_ =	strace $0x80000048  }
0xb3: {  	_ =	swait.ge [sflag:s29], $0x1  }
0xb4: {  	[sflag:s29] =	ssyncadd.s32 $0xFFFFFFFF  }
0xb5: {  	_ =	strace $0x90000048  }
0xb6: {  	_ =	sfence  }
0xb7: {  	s30 =	sld [smem:$0x0];
	_ =	sdelay $0x2  }
0xb8: {  	s31 =	sshll.u32 s1, $0xD;
	s1 =	sshrl.u32 s1, $0x2  }
0xb9: {  	s3 =	sand.u32 $0x4000, s31;
	s1 =	sadd.s32 s1, s30  }
0xba: {  	s0 =	sor.u32 s3, s0;
	s1 =	sshll.u32 s1, $0x11  }
0xbb: {  	s0 =	sor.u32 s1, s0  }
0xbc: {  	s0 =	sadd.s32 $0x8F2B, s0  }
0xbd: {  	[sflag:s0] =	ssyncadd.remote.s32 $0x1  }
0xbe: {  	_ =	sfence.sel $0xFFFF  }
0xbf: {  	[dreg:$0x0] =	wrdreg $0xFFFFFFFF;
	(pc) =	sbr.abs _section_cstart, $3  }
0xc0: {  	[dreg:$0x1] =	wrdreg $0xFFFFFFFF  }
0xc1: {  	_ =	task.clear_ibuf [dreg:s7], $0x2FFFF;
	_ =	strace $0x9FFFFFFF  }
0xc2: {  	(tm) =	ssettm $0x7FFFFFFF  }
0xc3: {  	_ =	shalt  }
tec
execute0_lowered:
.L_overlay_start_1:
0x0: {  	(tag) =	ssettag $0x1  }
0x1: {  	s0 =	rddreg [dreg:$0x0];
	s1 =	srdreg.scid  }
0x2: {  	s2 =	stileid.u32;
	s5 =	rddreg [dreg:$0x1];
	s15 =	simm.s32 $0x9  }
0x3: {  	s16 =	simm.s32 $0x80;
	s17 =	simm.s32 $0x6400;
	s18 =	simm.s32 $0xA400  }
0x4: {  	s20 =	simm.s32 $0xE400;
	s22 =	simm.s32 $0x12400;
	s28 =	simm.s32 $0x3  }
0x5: {  	s29 =	simm.s32 $0x7;
	s1 =	sand.u32 $0x1, s1;
	s3 =	sshll.u32 s2, $0x1  }
0x6: {  	s30 =	simm.s32 $0x4;
	s31 =	simm.s32 $0x8;
	s6 =	sor.u32 s1, s3  }
0x7: {  	s2 =	simm.s32 $0x0;
	s4 =	sadd.s32 $0xF42E00, s5;
	s7 =	smul.u32 $0xC80, s6  }
0x8: {  	s5 =	sadd.s32 $0xA00, s5;
	s1 =	ssub.s32 $0x2, s1;
	s3 =	smul.u32 $0x320000, s6  }
0x9: {  	[smem:$0x7FF] =	sst s2;
	s8 =	sshrl.u32 s1, $0x1;
	s6 =	smul.u32 $0x6400, s6  }
0xa: {  	_ =	strace $0x80000047;
	s1 =	ssub.s32 s1, s8;
	s23 =	sshrl.u32 s3, $0x3  }
0xb: {  	s0 =	sadd.s32 s0, s7;
	s7 =	sor.u32 $0x80, s6;
	s8 =	sor.u32 $0x100, s6  }
0xc: {  	s9 =	sor.u32 $0x180, s6;
	s14 =	smax.u32 s1, $0x1;
	s1 =	simm.s32 $0x0  }
0xd: {  	[dreg:$0x3] =	wrdreg s0;
	s24 =	sadd.s32 s5, s23;
	s23 =	simm.s32 $0x1  }
0xe: {  	s25 =	sadd.s32 $0x62000, s24;
	s26 =	sadd.s32 $0x62800, s24;
	s12 =	sadd.s32 $0x63000, s24  }
0xf: {  	s13 =	sadd.s32 $0x63800, s24;
	s24 =	simm.s32 $0x5;
	[dreg:$0x4] =	wrdreg s25  }
0x10: {  	[dreg:$0x5] =	wrdreg s26;
	s25 =	simm.s32 $0x2;
	s26 =	simm.s32 $0x6  }
.LBB2_1:
0x11: {  	s0 =	rddreg [dreg:$0x3]  }
0x12: {  	[tilespmem:s2], [sflag:$0x9] =	stream.linear.gather [hbm4b:s0+s2], $0x6400, $0x38;
	[tilespmem:$0x16400] =	vst v63  }
0x13: {  	_ =	swait.ge [sflag:s15], $0x6400  }
0x14: {  	[sflag:s15] =	ssyncset.done $0x0  }
0x15: {  	[sflag:s15] =	ssyncadd.s32 $0xFFFF9C00  }
0x16: {  	[tilespmem:s17], [sflag:$0x1] =	stream.indirect.gather [hbm4b:s4+s16], $0x80, s2, s16, $0xb8;
	[tilespmem:$0x16400] =	vst v63  }
0x17: {  	_ = 	snop  }
0x18: {  	[tilespmem:s18], [sflag:$0x2] =	stream.indirect.gather [hbm4b:s4+s16], $0x80, s16, s16, $0xb8;
	[tilespmem:$0x16400] =	vst v63  }
0x19: {  	s19 =	simm.s32 $0x100  }
0x1a: {  	[tilespmem:s20], [sflag:$0x3] =	stream.indirect.gather [hbm4b:s4+s16], $0x80, s19, s16, $0xb8;
	[tilespmem:$0x16400] =	vst v63  }
0x1b: {  	s21 =	simm.s32 $0x180;
	s0 =	simm.s32 $0x0  }
0x1c: {  	[tilespmem:s22], [sflag:$0x4] =	stream.indirect.gather [hbm4b:s4+s16], $0x80, s21, s16, $0xb8;
	[tilespmem:$0x16400] =	vst v63  }
.LBB2_2:
0x1d: {  	_ =	swait.ge [sflag:s23], $0x4000  }
0x1e: {  	[sflag:s23] =	ssyncset.done $0x0  }
0x1f: {  	s19 =	simm.s32 $0x6500;
	[sflag:s23] =	ssyncadd.s32 $0xFFFFC000  }
0x20: {  	v0 =	vld [tilespmem:s19+$0xB0]  }
0x21: {  	v1 =	vld [tilespmem:s19+$0xFFFFFF10]  }
0x22: {  	v2 =	vld [tilespmem:s19+$0xFFFFFF20]  }
0x23: {  	v3 =	vld [tilespmem:s19+$0xFFFFFF30]  }
0x24: {  	v4 =	vld [tilespmem:s19+$0xFFFFFF80]  }
0x25: {  	v5 =	vld [tilespmem:s19+$0xFFFFFF90];
	v0 =	vmul.f32 $1.250000000e-01, v0  }
0x26: {  	v6 =	vld [tilespmem:s19+$0xFFFFFFA0];
	v1 =	vmul.f32 $1.250000000e-01, v1  }
0x27: {  	v7 =	vld [tilespmem:s19+$0xFFFFFFB0];
	v2 =	vmul.f32 $1.250000000e-01, v2;
	[tilespmem:s19+$0xB0] =	vst v0  }
0x28: {  	[tilespmem:s19+$0xFFFFFF10] =	vst v1;
	v0 =	vmul.f32 $1.250000000e-01, v3;
	v3 =	vld [tilespmem:s19+$0x0]  }
0x29: {  	[tilespmem:s19+$0xFFFFFF20] =	vst v2;
	v1 =	vmul.f32 $1.250000000e-01, v4;
	v4 =	vld [tilespmem:s19+$0x10]  }
0x2a: {  	v8 =	vld [tilespmem:s19+$0x20];
	v2 =	vmul.f32 $1.250000000e-01, v5;
	[tilespmem:s19+$0xFFFFFF30] =	vst v0  }
0x2b: {  	v5 =	vmul.f32 $1.250000000e-01, v6;
	[tilespmem:s19+$0xFFFFFF80] =	vst v1;
	v0 =	vld [tilespmem:s19+$0x30]  }
0x2c: {  	v6 =	vmul.f32 $1.250000000e-01, v7;
	[tilespmem:s19+$0xFFFFFF90] =	vst v2;
	v1 =	vld [tilespmem:s19+$0x80]  }
0x2d: {  	[tilespmem:s19+$0xFFFFFFA0] =	vst v5;
	v2 =	vld [tilespmem:s19+$0x90];
	v7 =	vmul.f32 $1.250000000e-01, v3  }
0x2e: {  	[tilespmem:s19+$0xFFFFFFB0] =	vst v6;
	v3 =	vld [tilespmem:s19+$0xA0];
	v5 =	vmul.f32 $1.250000000e-01, v4  }
0x2f: {  	s6 =	simm.s32 $0x0;
	s10 =	simm.s32 $0x6700;
	v6 =	vmul.f32 $1.250000000e-01, v8;
	v4 =	vld [tilespmem:s19+$0xFFFFFF00];
	[tilespmem:s19+$0x0] =	vst v7  }
.LBB2_3:
0x30: {  	v7 =	vld [tilespmem:s10+$0xB0];
	s6 =	sadd.s32 $0x4, s6;
	[tilespmem:s19+$0x10] =	vst v5;
	v0 =	vmul.f32 $1.250000000e-01, v0  }
0x31: {  	v5 =	vld [tilespmem:s10+$0xFFFFFF10];
	p0 =	slt.u32 s6, $0x7C;
	[tilespmem:s19+$0x20] =	vst v6;
	v1 =	vmul.f32 $1.250000000e-01, v1  }
0x32: {  	v6 =	vld [tilespmem:s10+$0xFFFFFF20];
	[tilespmem:s19+$0x30] =	vst v0;
	v0 =	vmul.f32 $1.250000000e-01, v2  }
0x33: {  	v2 =	vld [tilespmem:s10+$0xFFFFFF30];
	[tilespmem:s19+$0x80] =	vst v1;
	v1 =	vmul.f32 $1.250000000e-01, v3  }
0x34: {  	v3 =	vld [tilespmem:s10+$0xFFFFFF80];
	v4 =	vmul.f32 $1.250000000e-01, v4;
	[tilespmem:s19+$0x90] =	vst v0  }
0x35: {  	v0 =	vld [tilespmem:s10+$0xFFFFFF90];
	v7 =	vmul.f32 $1.250000000e-01, v7;
	[tilespmem:s19+$0xA0] =	vst v1  }
0x36: {  	v1 =	vmul.f32 $1.250000000e-01, v5;
	v5 =	vld [tilespmem:s10+$0xFFFFFFA0];
	[tilespmem:s19+$0xFFFFFF00] =	vst v4;
	s19 =	smov.u32 s10  }
0x37: {  	v4 =	vmul.f32 $1.250000000e-01, v6;
	v6 =	vld [tilespmem:s10+$0xFFFFFFB0];
	[tilespmem:s10+$0xB0] =	vst v7  }
0x38: {  	[tilespmem:s10+$0xFFFFFF10] =	vst v1;
	v1 =	vmul.f32 $1.250000000e-01, v2;
	v2 =	vld [tilespmem:s10+$0x0]  }
0x39: {  	[tilespmem:s10+$0xFFFFFF20] =	vst v4;
	v3 =	vmul.f32 $1.250000000e-01, v3;
	v4 =	vld [tilespmem:s10+$0x10]  }
0x3a: {  	[tilespmem:s10+$0xFFFFFF30] =	vst v1;
	v1 =	vmul.f32 $1.250000000e-01, v0;
	v7 =	vld [tilespmem:s10+$0x20]  }
.Ltmp0:
0x3b: {  	[tilespmem:s10+$0xFFFFFF80] =	vst v3;
	v3 =	vmul.f32 $1.250000000e-01, v5;
	v0 =	vld [tilespmem:s10+$0x30];
	(pc) =	sbr.rel @p0 .LBB2_3-.Ltmp0, $4  }
0x3c: {  	[tilespmem:s10+$0xFFFFFF90] =	vst v1;
	v5 =	vmul.f32 $1.250000000e-01, v6;
	v1 =	vld [tilespmem:s10+$0x80]  }
0x3d: {  	[tilespmem:s10+$0xFFFFFFA0] =	vst v3;
	v6 =	vmul.f32 $1.250000000e-01, v2;
	v2 =	vld [tilespmem:s10+$0x90]  }
0x3e: {  	[tilespmem:s10+$0xFFFFFFB0] =	vst v5;
	v5 =	vmul.f32 $1.250000000e-01, v4;
	v3 =	vld [tilespmem:s10+$0xA0]  }
0x3f: {  	s10 =	sadd.s32 $0x200, s10;
	v4 =	vld [tilespmem:s19+$0xFFFFFF00];
	[tilespmem:s19+$0x0] =	vst v6;
	v6 =	vmul.f32 $1.250000000e-01, v7  }
0x40: {  	[tilespmem:s19+$0x10] =	vst v5;
	v0 =	vmul.f32 $1.250000000e-01, v0  }
0x41: {  	[tilespmem:s19+$0x20] =	vst v6;
	v1 =	vmul.f32 $1.250000000e-01, v1  }
0x42: {  	[tilespmem:s19+$0x30] =	vst v0;
	v0 =	vmul.f32 $1.250000000e-01, v2  }
0x43: {  	s6 =	sshll.u32 s0, $0x10;
	[tilespmem:s19+$0x80] =	vst v1;
	v1 =	vmul.f32 $1.250000000e-01, v3  }
0x44: {  	s6 =	sadd.s32 s3, s6;
	v2 =	vmul.f32 $1.250000000e-01, v4;
	[tilespmem:s19+$0x90] =	vst v0  }
0x45: {  	s6 =	sshrl.u32 s6, $0x3;
	[tilespmem:s19+$0xA0] =	vst v1  }
0x46: {  	s6 =	sadd.s32 s5, s6;
	[tilespmem:s19+$0xFFFFFF00] =	vst v2  }
0x47: {  	[hbm4b:s6+s2] =	stream.linear.scatter [tilespmem:s17], [sflag:$0x5], $0x4000, $0x38;
	[tilespmem:$0x16400] =	vst v63  }
0x48: {  	s21 =	sshll.u32 s0, $0x9;
	_ =	swait.ge [sflag:s24], $0x4000  }
0x49: {  	s19 =	sand.u32 $0x3FFFFE00, s21;
	[sflag:s24] =	ssyncset.done $0x0  }
0x4a: {  	s11 =	sadd.s32 $0x200, s19;
	[sflag:s24] =	ssyncadd.s32 $0xFFFFC000  }
0x4b: {  	[tilespmem:s17], [sflag:$0x1] =	stream.indirect.gather [hbm4b:s4+s16], $0x80, s11, s16, $0xb8;
	[tilespmem:$0x16400] =	vst v63  }
0x4c: {  	_ =	swait.ge [sflag:s25], $0x4000  }
0x4d: {  	[sflag:s25] =	ssyncset.done $0x0  }
0x4e: {  	s6 =	simm.s32 $0xA400;
	[sflag:s25] =	ssyncadd.s32 $0xFFFFC000  }
0x4f: {  	v0 =	vld [tilespmem:s6+$0x1B0]  }
0x50: {  	v1 =	vld [tilespmem:s6+$0x10]  }
0x51: {  	v2 =	vld [tilespmem:s6+$0x20]  }
0x52: {  	v3 =	vld [tilespmem:s6+$0x30]  }
0x53: {  	v4 =	vld [tilespmem:s6+$0x80]  }
0x54: {  	v5 =	vld [tilespmem:s6+$0x90];
	v0 =	vmul.f32 $1.250000000e-01, v0  }
0x55: {  	v6 =	vld [tilespmem:s6+$0xA0];
	v1 =	vmul.f32 $1.250000000e-01, v1  }
0x56: {  	v7 =	vld [tilespmem:s6+$0xB0];
	v2 =	vmul.f32 $1.250000000e-01, v2;
	[tilespmem:s6+$0x1B0] =	vst v0  }
0x57: {  	[tilespmem:s6+$0x10] =	vst v1;
	v0 =	vmul.f32 $1.250000000e-01, v3;
	v3 =	vld [tilespmem:s6+$0x100]  }
0x58: {  	[tilespmem:s6+$0x20] =	vst v2;
	v1 =	vmul.f32 $1.250000000e-01, v4;
	v4 =	vld [tilespmem:s6+$0x110]  }
0x59: {  	v8 =	vld [tilespmem:s6+$0x120];
	v2 =	vmul.f32 $1.250000000e-01, v5;
	[tilespmem:s6+$0x30] =	vst v0  }
0x5a: {  	v5 =	vmul.f32 $1.250000000e-01, v6;
	[tilespmem:s6+$0x80] =	vst v1;
	v0 =	vld [tilespmem:s6+$0x130]  }
0x5b: {  	v6 =	vmul.f32 $1.250000000e-01, v7;
	[tilespmem:s6+$0x90] =	vst v2;
	v1 =	vld [tilespmem:s6+$0x180]  }
0x5c: {  	[tilespmem:s6+$0xA0] =	vst v5;
	v2 =	vld [tilespmem:s6+$0x190];
	v7 =	vmul.f32 $1.250000000e-01, v3  }
0x5d: {  	[tilespmem:s6+$0xB0] =	vst v6;
	v3 =	vld [tilespmem:s6+$0x1A0];
	v5 =	vmul.f32 $1.250000000e-01, v4  }
0x5e: {  	s10 =	simm.s32 $0x0;
	s11 =	simm.s32 $0xA600;
	v6 =	vmul.f32 $1.250000000e-01, v8;
	v4 =	vld [tilespmem:s6+$0x0];
	[tilespmem:s6+$0x100] =	vst v7  }
.LBB2_5:
0x5f: {  	v7 =	vld [tilespmem:s11+$0x1B0];
	s10 =	sadd.s32 $0x4, s10;
	[tilespmem:s6+$0x110] =	vst v5;
	v0 =	vmul.f32 $1.250000000e-01, v0  }
0x60: {  	v5 =	vld [tilespmem:s11+$0x10];
	p0 =	slt.u32 s10, $0x7C;
	[tilespmem:s6+$0x120] =	vst v6;
	v1 =	vmul.f32 $1.250000000e-01, v1  }
0x61: {  	v6 =	vld [tilespmem:s11+$0x20];
	[tilespmem:s6+$0x130] =	vst v0;
	v0 =	vmul.f32 $1.250000000e-01, v2  }
0x62: {  	v2 =	vld [tilespmem:s11+$0x30];
	[tilespmem:s6+$0x180] =	vst v1;
	v1 =	vmul.f32 $1.250000000e-01, v3  }
0x63: {  	v3 =	vld [tilespmem:s11+$0x80];
	v4 =	vmul.f32 $1.250000000e-01, v4;
	[tilespmem:s6+$0x190] =	vst v0  }
0x64: {  	v0 =	vld [tilespmem:s11+$0x90];
	v7 =	vmul.f32 $1.250000000e-01, v7;
	[tilespmem:s6+$0x1A0] =	vst v1  }
0x65: {  	v1 =	vmul.f32 $1.250000000e-01, v5;
	v5 =	vld [tilespmem:s11+$0xA0];
	[tilespmem:s6+$0x0] =	vst v4;
	s6 =	smov.u32 s11  }
0x66: {  	v4 =	vmul.f32 $1.250000000e-01, v6;
	v6 =	vld [tilespmem:s11+$0xB0];
	[tilespmem:s11+$0x1B0] =	vst v7  }
0x67: {  	[tilespmem:s11+$0x10] =	vst v1;
	v1 =	vmul.f32 $1.250000000e-01, v2;
	v2 =	vld [tilespmem:s11+$0x100]  }
0x68: {  	[tilespmem:s11+$0x20] =	vst v4;
	v3 =	vmul.f32 $1.250000000e-01, v3;
	v4 =	vld [tilespmem:s11+$0x110]  }
0x69: {  	[tilespmem:s11+$0x30] =	vst v1;
	v1 =	vmul.f32 $1.250000000e-01, v0;
	v7 =	vld [tilespmem:s11+$0x120]  }
.Ltmp1:
0x6a: {  	[tilespmem:s11+$0x80] =	vst v3;
	v3 =	vmul.f32 $1.250000000e-01, v5;
	v0 =	vld [tilespmem:s11+$0x130];
	(pc) =	sbr.rel @p0 .LBB2_5-.Ltmp1, $4  }
0x6b: {  	[tilespmem:s11+$0x90] =	vst v1;
	v5 =	vmul.f32 $1.250000000e-01, v6;
	v1 =	vld [tilespmem:s11+$0x180]  }
0x6c: {  	[tilespmem:s11+$0xA0] =	vst v3;
	v6 =	vmul.f32 $1.250000000e-01, v2;
	v2 =	vld [tilespmem:s11+$0x190]  }
0x6d: {  	[tilespmem:s11+$0xB0] =	vst v5;
	v5 =	vmul.f32 $1.250000000e-01, v4;
	v3 =	vld [tilespmem:s11+$0x1A0]  }
0x6e: {  	s11 =	sadd.s32 $0x200, s11;
	v4 =	vld [tilespmem:s6+$0x0];
	[tilespmem:s6+$0x100] =	vst v6;
	v6 =	vmul.f32 $1.250000000e-01, v7  }
0x6f: {  	[tilespmem:s6+$0x110] =	vst v5;
	v0 =	vmul.f32 $1.250000000e-01, v0  }
0x70: {  	[tilespmem:s6+$0x120] =	vst v6;
	v1 =	vmul.f32 $1.250000000e-01, v1  }
0x71: {  	[tilespmem:s6+$0x130] =	vst v0;
	v0 =	vmul.f32 $1.250000000e-01, v2  }
0x72: {  	[tilespmem:s6+$0x180] =	vst v1;
	v1 =	vmul.f32 $1.250000000e-01, v3  }
0x73: {  	s10 =	sadd.s32 s21, s7;
	v2 =	vmul.f32 $1.250000000e-01, v4;
	[tilespmem:s6+$0x190] =	vst v0  }
0x74: {  	s10 =	sshll.u32 s10, $0x4;
	[tilespmem:s6+$0x1A0] =	vst v1  }
0x75: {  	s10 =	sadd.s32 s5, s10;
	[tilespmem:s6+$0x0] =	vst v2  }
0x76: {  	[hbm4b:s10+s2] =	stream.linear.scatter [tilespmem:s18], [sflag:$0x6], $0x4000, $0x38;
	[tilespmem:$0x16400] =	vst v63  }
0x77: {  	_ =	swait.ge [sflag:s26], $0x4000  }
0x78: {  	[sflag:s26] =	ssyncset.done $0x0  }
0x79: {  	s11 =	sadd.s32 $0x280, s19;
	[sflag:s26] =	ssyncadd.s32 $0xFFFFC000  }
0x7a: {  	[tilespmem:s18], [sflag:$0x2] =	stream.indirect.gather [hbm4b:s4+s16], $0x80, s11, s16, $0xb8;
	[tilespmem:$0x16400] =	vst v63  }
0x7b: {  	_ =	swait.ge [sflag:s28], $0x4000  }
0x7c: {  	[sflag:s28] =	ssyncset.done $0x0  }
0x7d: {  	s6 =	simm.s32 $0xE400;
	[sflag:s28] =	ssyncadd.s32 $0xFFFFC000  }
0x7e: {  	v0 =	vld [tilespmem:s6+$0x1B0]  }
0x7f: {  	v1 =	vld [tilespmem:s6+$0x10]  }
0x80: {  	v2 =	vld [tilespmem:s6+$0x20]  }
0x81: {  	v3 =	vld [tilespmem:s6+$0x30]  }
0x82: {  	v4 =	vld [tilespmem:s6+$0x80]  }
0x83: {  	v5 =	vld [tilespmem:s6+$0x90];
	v0 =	vmul.f32 $1.250000000e-01, v0  }
0x84: {  	v6 =	vld [tilespmem:s6+$0xA0];
	v1 =	vmul.f32 $1.250000000e-01, v1  }
0x85: {  	v7 =	vld [tilespmem:s6+$0xB0];
	v2 =	vmul.f32 $1.250000000e-01, v2;
	[tilespmem:s6+$0x1B0] =	vst v0  }
0x86: {  	[tilespmem:s6+$0x10] =	vst v1;
	v0 =	vmul.f32 $1.250000000e-01, v3;
	v3 =	vld [tilespmem:s6+$0x100]  }
0x87: {  	[tilespmem:s6+$0x20] =	vst v2;
	v1 =	vmul.f32 $1.250000000e-01, v4;
	v4 =	vld [tilespmem:s6+$0x110]  }
0x88: {  	v8 =	vld [tilespmem:s6+$0x120];
	v2 =	vmul.f32 $1.250000000e-01, v5;
	[tilespmem:s6+$0x30] =	vst v0  }
0x89: {  	v5 =	vmul.f32 $1.250000000e-01, v6;
	[tilespmem:s6+$0x80] =	vst v1;
	v0 =	vld [tilespmem:s6+$0x130]  }
0x8a: {  	v6 =	vmul.f32 $1.250000000e-01, v7;
	[tilespmem:s6+$0x90] =	vst v2;
	v1 =	vld [tilespmem:s6+$0x180]  }
0x8b: {  	[tilespmem:s6+$0xA0] =	vst v5;
	v2 =	vld [tilespmem:s6+$0x190];
	v7 =	vmul.f32 $1.250000000e-01, v3  }
0x8c: {  	[tilespmem:s6+$0xB0] =	vst v6;
	v3 =	vld [tilespmem:s6+$0x1A0];
	v5 =	vmul.f32 $1.250000000e-01, v4  }
0x8d: {  	s10 =	simm.s32 $0x0;
	s11 =	simm.s32 $0xE600;
	v6 =	vmul.f32 $1.250000000e-01, v8;
	v4 =	vld [tilespmem:s6+$0x0];
	[tilespmem:s6+$0x100] =	vst v7  }
.LBB2_7:
0x8e: {  	v7 =	vld [tilespmem:s11+$0x1B0];
	s10 =	sadd.s32 $0x4, s10;
	[tilespmem:s6+$0x110] =	vst v5;
	v0 =	vmul.f32 $1.250000000e-01, v0  }
0x8f: {  	v5 =	vld [tilespmem:s11+$0x10];
	p0 =	slt.u32 s10, $0x7C;
	[tilespmem:s6+$0x120] =	vst v6;
	v1 =	vmul.f32 $1.250000000e-01, v1  }
0x90: {  	v6 =	vld [tilespmem:s11+$0x20];
	[tilespmem:s6+$0x130] =	vst v0;
	v0 =	vmul.f32 $1.250000000e-01, v2  }
0x91: {  	v2 =	vld [tilespmem:s11+$0x30];
	[tilespmem:s6+$0x180] =	vst v1;
	v1 =	vmul.f32 $1.250000000e-01, v3  }
0x92: {  	v3 =	vld [tilespmem:s11+$0x80];
	v4 =	vmul.f32 $1.250000000e-01, v4;
	[tilespmem:s6+$0x190] =	vst v0  }
0x93: {  	v0 =	vld [tilespmem:s11+$0x90];
	v7 =	vmul.f32 $1.250000000e-01, v7;
	[tilespmem:s6+$0x1A0] =	vst v1  }
0x94: {  	v1 =	vmul.f32 $1.250000000e-01, v5;
	v5 =	vld [tilespmem:s11+$0xA0];
	[tilespmem:s6+$0x0] =	vst v4;
	s6 =	smov.u32 s11  }
0x95: {  	v4 =	vmul.f32 $1.250000000e-01, v6;
	v6 =	vld [tilespmem:s11+$0xB0];
	[tilespmem:s11+$0x1B0] =	vst v7  }
0x96: {  	[tilespmem:s11+$0x10] =	vst v1;
	v1 =	vmul.f32 $1.250000000e-01, v2;
	v2 =	vld [tilespmem:s11+$0x100]  }
0x97: {  	[tilespmem:s11+$0x20] =	vst v4;
	v3 =	vmul.f32 $1.250000000e-01, v3;
	v4 =	vld [tilespmem:s11+$0x110]  }
0x98: {  	[tilespmem:s11+$0x30] =	vst v1;
	v1 =	vmul.f32 $1.250000000e-01, v0;
	v7 =	vld [tilespmem:s11+$0x120]  }
.Ltmp2:
0x99: {  	[tilespmem:s11+$0x80] =	vst v3;
	v3 =	vmul.f32 $1.250000000e-01, v5;
	v0 =	vld [tilespmem:s11+$0x130];
	(pc) =	sbr.rel @p0 .LBB2_7-.Ltmp2, $4  }
0x9a: {  	[tilespmem:s11+$0x90] =	vst v1;
	v5 =	vmul.f32 $1.250000000e-01, v6;
	v1 =	vld [tilespmem:s11+$0x180]  }
0x9b: {  	[tilespmem:s11+$0xA0] =	vst v3;
	v6 =	vmul.f32 $1.250000000e-01, v2;
	v2 =	vld [tilespmem:s11+$0x190]  }
0x9c: {  	[tilespmem:s11+$0xB0] =	vst v5;
	v5 =	vmul.f32 $1.250000000e-01, v4;
	v3 =	vld [tilespmem:s11+$0x1A0]  }
0x9d: {  	s11 =	sadd.s32 $0x200, s11;
	v4 =	vld [tilespmem:s6+$0x0];
	[tilespmem:s6+$0x100] =	vst v6;
	v6 =	vmul.f32 $1.250000000e-01, v7  }
0x9e: {  	[tilespmem:s6+$0x110] =	vst v5;
	v0 =	vmul.f32 $1.250000000e-01, v0  }
0x9f: {  	[tilespmem:s6+$0x120] =	vst v6;
	v1 =	vmul.f32 $1.250000000e-01, v1  }
0xa0: {  	[tilespmem:s6+$0x130] =	vst v0;
	v0 =	vmul.f32 $1.250000000e-01, v2  }
0xa1: {  	[tilespmem:s6+$0x180] =	vst v1;
	v1 =	vmul.f32 $1.250000000e-01, v3  }
0xa2: {  	s10 =	sadd.s32 s21, s8;
	v2 =	vmul.f32 $1.250000000e-01, v4;
	[tilespmem:s6+$0x190] =	vst v0  }
0xa3: {  	s10 =	sshll.u32 s10, $0x4;
	[tilespmem:s6+$0x1A0] =	vst v1  }
0xa4: {  	s10 =	sadd.s32 s5, s10;
	[tilespmem:s6+$0x0] =	vst v2  }
0xa5: {  	[hbm4b:s10+s2] =	stream.linear.scatter [tilespmem:s20], [sflag:$0x7], $0x4000, $0x38;
	[tilespmem:$0x16400] =	vst v63  }
0xa6: {  	_ =	swait.ge [sflag:s29], $0x4000  }
0xa7: {  	[sflag:s29] =	ssyncset.done $0x0  }
0xa8: {  	s11 =	sadd.s32 $0x300, s19;
	[sflag:s29] =	ssyncadd.s32 $0xFFFFC000  }
0xa9: {  	[tilespmem:s20], [sflag:$0x3] =	stream.indirect.gather [hbm4b:s4+s16], $0x80, s11, s16, $0xb8;
	[tilespmem:$0x16400] =	vst v63  }
0xaa: {  	_ =	swait.ge [sflag:s30], $0x4000  }
0xab: {  	[sflag:s30] =	ssyncset.done $0x0  }
0xac: {  	s6 =	simm.s32 $0x12400;
	[sflag:s30] =	ssyncadd.s32 $0xFFFFC000  }
0xad: {  	v0 =	vld [tilespmem:s6+$0x1B0]  }
0xae: {  	v1 =	vld [tilespmem:s6+$0x10]  }
0xaf: {  	v2 =	vld [tilespmem:s6+$0x20]  }
0xb0: {  	v3 =	vld [tilespmem:s6+$0x30]  }
0xb1: {  	v4 =	vld [tilespmem:s6+$0x80]  }
0xb2: {  	v5 =	vld [tilespmem:s6+$0x90];
	v0 =	vmul.f32 $1.250000000e-01, v0  }
0xb3: {  	v6 =	vld [tilespmem:s6+$0xA0];
	v1 =	vmul.f32 $1.250000000e-01, v1  }
0xb4: {  	v7 =	vld [tilespmem:s6+$0xB0];
	v2 =	vmul.f32 $1.250000000e-01, v2;
	[tilespmem:s6+$0x1B0] =	vst v0  }
0xb5: {  	[tilespmem:s6+$0x10] =	vst v1;
	v0 =	vmul.f32 $1.250000000e-01, v3;
	v3 =	vld [tilespmem:s6+$0x100]  }
0xb6: {  	[tilespmem:s6+$0x20] =	vst v2;
	v1 =	vmul.f32 $1.250000000e-01, v4;
	v4 =	vld [tilespmem:s6+$0x110]  }
0xb7: {  	v8 =	vld [tilespmem:s6+$0x120];
	v2 =	vmul.f32 $1.250000000e-01, v5;
	[tilespmem:s6+$0x30] =	vst v0  }
0xb8: {  	v5 =	vmul.f32 $1.250000000e-01, v6;
	[tilespmem:s6+$0x80] =	vst v1;
	v0 =	vld [tilespmem:s6+$0x130]  }
0xb9: {  	v6 =	vmul.f32 $1.250000000e-01, v7;
	[tilespmem:s6+$0x90] =	vst v2;
	v1 =	vld [tilespmem:s6+$0x180]  }
0xba: {  	[tilespmem:s6+$0xA0] =	vst v5;
	v2 =	vld [tilespmem:s6+$0x190];
	v7 =	vmul.f32 $1.250000000e-01, v3  }
0xbb: {  	[tilespmem:s6+$0xB0] =	vst v6;
	v3 =	vld [tilespmem:s6+$0x1A0];
	v5 =	vmul.f32 $1.250000000e-01, v4  }
0xbc: {  	s10 =	simm.s32 $0x0;
	s11 =	simm.s32 $0x12600;
	v6 =	vmul.f32 $1.250000000e-01, v8;
	v4 =	vld [tilespmem:s6+$0x0];
	[tilespmem:s6+$0x100] =	vst v7  }
.LBB2_9:
0xbd: {  	v7 =	vld [tilespmem:s11+$0x1B0];
	s10 =	sadd.s32 $0x4, s10;
	[tilespmem:s6+$0x110] =	vst v5;
	v0 =	vmul.f32 $1.250000000e-01, v0  }
0xbe: {  	v5 =	vld [tilespmem:s11+$0x10];
	p0 =	slt.u32 s10, $0x7C;
	[tilespmem:s6+$0x120] =	vst v6;
	v1 =	vmul.f32 $1.250000000e-01, v1  }
0xbf: {  	v6 =	vld [tilespmem:s11+$0x20];
	[tilespmem:s6+$0x130] =	vst v0;
	v0 =	vmul.f32 $1.250000000e-01, v2  }
0xc0: {  	v2 =	vld [tilespmem:s11+$0x30];
	[tilespmem:s6+$0x180] =	vst v1;
	v1 =	vmul.f32 $1.250000000e-01, v3  }
0xc1: {  	v3 =	vld [tilespmem:s11+$0x80];
	v4 =	vmul.f32 $1.250000000e-01, v4;
	[tilespmem:s6+$0x190] =	vst v0  }
0xc2: {  	v0 =	vld [tilespmem:s11+$0x90];
	v7 =	vmul.f32 $1.250000000e-01, v7;
	[tilespmem:s6+$0x1A0] =	vst v1  }
0xc3: {  	v1 =	vmul.f32 $1.250000000e-01, v5;
	v5 =	vld [tilespmem:s11+$0xA0];
	[tilespmem:s6+$0x0] =	vst v4;
	s6 =	smov.u32 s11  }
0xc4: {  	v4 =	vmul.f32 $1.250000000e-01, v6;
	v6 =	vld [tilespmem:s11+$0xB0];
	[tilespmem:s11+$0x1B0] =	vst v7  }
0xc5: {  	[tilespmem:s11+$0x10] =	vst v1;
	v1 =	vmul.f32 $1.250000000e-01, v2;
	v2 =	vld [tilespmem:s11+$0x100]  }
0xc6: {  	[tilespmem:s11+$0x20] =	vst v4;
	v3 =	vmul.f32 $1.250000000e-01, v3;
	v4 =	vld [tilespmem:s11+$0x110]  }
0xc7: {  	[tilespmem:s11+$0x30] =	vst v1;
	v1 =	vmul.f32 $1.250000000e-01, v0;
	v7 =	vld [tilespmem:s11+$0x120]  }
.Ltmp3:
0xc8: {  	[tilespmem:s11+$0x80] =	vst v3;
	v3 =	vmul.f32 $1.250000000e-01, v5;
	v0 =	vld [tilespmem:s11+$0x130];
	(pc) =	sbr.rel @p0 .LBB2_9-.Ltmp3, $4  }
0xc9: {  	[tilespmem:s11+$0x90] =	vst v1;
	v5 =	vmul.f32 $1.250000000e-01, v6;
	v1 =	vld [tilespmem:s11+$0x180]  }
0xca: {  	[tilespmem:s11+$0xA0] =	vst v3;
	v6 =	vmul.f32 $1.250000000e-01, v2;
	v2 =	vld [tilespmem:s11+$0x190]  }
0xcb: {  	[tilespmem:s11+$0xB0] =	vst v5;
	v5 =	vmul.f32 $1.250000000e-01, v4;
	v3 =	vld [tilespmem:s11+$0x1A0]  }
0xcc: {  	s11 =	sadd.s32 $0x200, s11;
	v4 =	vld [tilespmem:s6+$0x0];
	[tilespmem:s6+$0x100] =	vst v6;
	v6 =	vmul.f32 $1.250000000e-01, v7  }
0xcd: {  	[tilespmem:s6+$0x110] =	vst v5;
	v0 =	vmul.f32 $1.250000000e-01, v0  }
0xce: {  	[tilespmem:s6+$0x120] =	vst v6;
	v1 =	vmul.f32 $1.250000000e-01, v1  }
0xcf: {  	[tilespmem:s6+$0x130] =	vst v0;
	v61 =	vmul.f32 $1.250000000e-01, v2  }
0xd0: {  	[tilespmem:s6+$0x180] =	vst v1;
	v62 =	vmul.f32 $1.250000000e-01, v3  }
0xd1: {  	s10 =	sadd.s32 s21, s9;
	v63 =	vmul.f32 $1.250000000e-01, v4;
	[tilespmem:s6+$0x190] =	vst v61  }
0xd2: {  	s0 =	sadd.s32 $0x1, s0;
	s10 =	sshll.u32 s10, $0x4;
	[tilespmem:s6+$0x1A0] =	vst v62  }
0xd3: {  	p0 =	sne.s32 s0, $0x31;
	s11 =	sadd.s32 s5, s10;
	[tilespmem:s6+$0x0] =	vst v63  }
0xd4: {  	[hbm4b:s11+s2] =	stream.linear.scatter [tilespmem:s22], [sflag:$0x8], $0x4000, $0x38;
	[tilespmem:$0x16400] =	vst v63  }
.Ltmp4:
0xd5: {  	_ = 	snop;
	(pc) =	sbr.rel @p0 .LBB2_2-.Ltmp4, $4  }
0xd6: {  	_ =	swait.ge [sflag:s31], $0x4000  }
0xd7: {  	[sflag:s31] =	ssyncset.done $0x0  }
0xd8: {  	s21 =	sadd.s32 $0x380, s19;
	[sflag:s31] =	ssyncadd.s32 $0xFFFFC000  }
0xd9: {  	[tilespmem:s22], [sflag:$0x4] =	stream.indirect.gather [hbm4b:s4+s16], $0x80, s21, s16, $0xb8;
	[tilespmem:$0x16400] =	vst v63  }
0xda: {  	_ =	swait.ge [sflag:s23], $0x4000  }
0xdb: {  	[sflag:s23] =	ssyncset.done $0x0  }
0xdc: {  	s0 =	simm.s32 $0x6500;
	[sflag:s23] =	ssyncadd.s32 $0xFFFFC000  }
0xdd: {  	v0 =	vld [tilespmem:s0+$0xB0]  }
0xde: {  	v1 =	vld [tilespmem:s0+$0xFFFFFF10]  }
0xdf: {  	v2 =	vld [tilespmem:s0+$0xFFFFFF20]  }
0xe0: {  	v3 =	vld [tilespmem:s0+$0xFFFFFF30]  }
0xe1: {  	v4 =	vld [tilespmem:s0+$0xFFFFFF80]  }
0xe2: {  	v5 =	vld [tilespmem:s0+$0xFFFFFF90];
	v0 =	vmul.f32 $1.250000000e-01, v0  }
0xe3: {  	v6 =	vld [tilespmem:s0+$0xFFFFFFA0];
	v1 =	vmul.f32 $1.250000000e-01, v1  }
0xe4: {  	v7 =	vld [tilespmem:s0+$0xFFFFFFB0];
	v2 =	vmul.f32 $1.250000000e-01, v2;
	[tilespmem:s0+$0xB0] =	vst v0  }
0xe5: {  	[tilespmem:s0+$0xFFFFFF10] =	vst v1;
	v0 =	vmul.f32 $1.250000000e-01, v3;
	v3 =	vld [tilespmem:s0+$0x0]  }
0xe6: {  	[tilespmem:s0+$0xFFFFFF20] =	vst v2;
	v1 =	vmul.f32 $1.250000000e-01, v4;
	v4 =	vld [tilespmem:s0+$0x10]  }
0xe7: {  	v8 =	vld [tilespmem:s0+$0x20];
	v2 =	vmul.f32 $1.250000000e-01, v5;
	[tilespmem:s0+$0xFFFFFF30] =	vst v0  }
0xe8: {  	v5 =	vmul.f32 $1.250000000e-01, v6;
	[tilespmem:s0+$0xFFFFFF80] =	vst v1;
	v0 =	vld [tilespmem:s0+$0x30]  }
0xe9: {  	v6 =	vmul.f32 $1.250000000e-01, v7;
	[tilespmem:s0+$0xFFFFFF90] =	vst v2;
	v1 =	vld [tilespmem:s0+$0x80]  }
0xea: {  	[tilespmem:s0+$0xFFFFFFA0] =	vst v5;
	v2 =	vld [tilespmem:s0+$0x90];
	v7 =	vmul.f32 $1.250000000e-01, v3  }
0xeb: {  	[tilespmem:s0+$0xFFFFFFB0] =	vst v6;
	v3 =	vld [tilespmem:s0+$0xA0];
	v5 =	vmul.f32 $1.250000000e-01, v4  }
0xec: {  	s6 =	simm.s32 $0x0;
	s10 =	simm.s32 $0x6700;
	v6 =	vmul.f32 $1.250000000e-01, v8;
	v4 =	vld [tilespmem:s0+$0xFFFFFF00];
	[tilespmem:s0+$0x0] =	vst v7  }
.LBB2_12:
0xed: {  	v7 =	vld [tilespmem:s10+$0xB0];
	s6 =	sadd.s32 $0x4, s6;
	[tilespmem:s0+$0x10] =	vst v5;
	v0 =	vmul.f32 $1.250000000e-01, v0  }
0xee: {  	v5 =	vld [tilespmem:s10+$0xFFFFFF10];
	p0 =	slt.u32 s6, $0x7C;
	[tilespmem:s0+$0x20] =	vst v6;
	v1 =	vmul.f32 $1.250000000e-01, v1  }
0xef: {  	v6 =	vld [tilespmem:s10+$0xFFFFFF20];
	[tilespmem:s0+$0x30] =	vst v0;
	v0 =	vmul.f32 $1.250000000e-01, v2  }
0xf0: {  	v2 =	vld [tilespmem:s10+$0xFFFFFF30];
	[tilespmem:s0+$0x80] =	vst v1;
	v1 =	vmul.f32 $1.250000000e-01, v3  }
0xf1: {  	v3 =	vld [tilespmem:s10+$0xFFFFFF80];
	v4 =	vmul.f32 $1.250000000e-01, v4;
	[tilespmem:s0+$0x90] =	vst v0  }
0xf2: {  	v0 =	vld [tilespmem:s10+$0xFFFFFF90];
	v7 =	vmul.f32 $1.250000000e-01, v7;
	[tilespmem:s0+$0xA0] =	vst v1  }
0xf3: {  	v1 =	vmul.f32 $1.250000000e-01, v5;
	v5 =	vld [tilespmem:s10+$0xFFFFFFA0];
	[tilespmem:s0+$0xFFFFFF00] =	vst v4;
	s0 =	smov.u32 s10  }
0xf4: {  	v4 =	vmul.f32 $1.250000000e-01, v6;
	v6 =	vld [tilespmem:s10+$0xFFFFFFB0];
	[tilespmem:s10+$0xB0] =	vst v7  }
0xf5: {  	[tilespmem:s10+$0xFFFFFF10] =	vst v1;
	v1 =	vmul.f32 $1.250000000e-01, v2;
	v2 =	vld [tilespmem:s10+$0x0]  }
0xf6: {  	[tilespmem:s10+$0xFFFFFF20] =	vst v4;
	v3 =	vmul.f32 $1.250000000e-01, v3;
	v4 =	vld [tilespmem:s10+$0x10]  }
0xf7: {  	[tilespmem:s10+$0xFFFFFF30] =	vst v1;
	v1 =	vmul.f32 $1.250000000e-01, v0;
	v7 =	vld [tilespmem:s10+$0x20]  }
.Ltmp5:
0xf8: {  	[tilespmem:s10+$0xFFFFFF80] =	vst v3;
	v3 =	vmul.f32 $1.250000000e-01, v5;
	v0 =	vld [tilespmem:s10+$0x30];
	(pc) =	sbr.rel @p0 .LBB2_12-.Ltmp5, $4  }
0xf9: {  	[tilespmem:s10+$0xFFFFFF90] =	vst v1;
	v5 =	vmul.f32 $1.250000000e-01, v6;
	v1 =	vld [tilespmem:s10+$0x80]  }
0xfa: {  	[tilespmem:s10+$0xFFFFFFA0] =	vst v3;
	v6 =	vmul.f32 $1.250000000e-01, v2;
	v2 =	vld [tilespmem:s10+$0x90]  }
0xfb: {  	[tilespmem:s10+$0xFFFFFFB0] =	vst v5;
	v5 =	vmul.f32 $1.250000000e-01, v4;
	v3 =	vld [tilespmem:s10+$0xA0]  }
0xfc: {  	s10 =	sadd.s32 $0x200, s10;
	v4 =	vld [tilespmem:s0+$0xFFFFFF00];
	[tilespmem:s0+$0x0] =	vst v6;
	v6 =	vmul.f32 $1.250000000e-01, v7  }
0xfd: {  	[tilespmem:s0+$0x10] =	vst v5;
	v0 =	vmul.f32 $1.250000000e-01, v0  }
0xfe: {  	[tilespmem:s0+$0x20] =	vst v6;
	v1 =	vmul.f32 $1.250000000e-01, v1  }
0xff: {  	[tilespmem:s0+$0x30] =	vst v0;
	v0 =	vmul.f32 $1.250000000e-01, v2  }
0x100: {  	[tilespmem:s0+$0x80] =	vst v1;
	v1 =	vmul.f32 $1.250000000e-01, v3  }
0x101: {  	v2 =	vmul.f32 $1.250000000e-01, v4;
	[tilespmem:s0+$0x90] =	vst v0  }
0x102: {  	[tilespmem:s0+$0xA0] =	vst v1  }
0x103: {  	[tilespmem:s0+$0xFFFFFF00] =	vst v2  }
0x104: {  	s0 =	rddreg [dreg:$0x4]  }
0x105: {  	[hbm4b:s0+s2] =	stream.linear.scatter [tilespmem:s17], [sflag:$0x5], $0x4000, $0x38;
	[tilespmem:$0x16400] =	vst v63  }
0x106: {  	_ =	swait.ge [sflag:s25], $0x4000  }
0x107: {  	[sflag:s25] =	ssyncset.done $0x0  }
0x108: {  	s0 =	simm.s32 $0xA400;
	[sflag:s25] =	ssyncadd.s32 $0xFFFFC000  }
0x109: {  	v0 =	vld [tilespmem:s0+$0x1B0]  }
0x10a: {  	v1 =	vld [tilespmem:s0+$0x10]  }
0x10b: {  	v2 =	vld [tilespmem:s0+$0x20]  }
0x10c: {  	v3 =	vld [tilespmem:s0+$0x30]  }
0x10d: {  	v4 =	vld [tilespmem:s0+$0x80]  }
0x10e: {  	v5 =	vld [tilespmem:s0+$0x90];
	v0 =	vmul.f32 $1.250000000e-01, v0  }
0x10f: {  	v6 =	vld [tilespmem:s0+$0xA0];
	v1 =	vmul.f32 $1.250000000e-01, v1  }
0x110: {  	v7 =	vld [tilespmem:s0+$0xB0];
	v2 =	vmul.f32 $1.250000000e-01, v2;
	[tilespmem:s0+$0x1B0] =	vst v0  }
0x111: {  	[tilespmem:s0+$0x10] =	vst v1;
	v0 =	vmul.f32 $1.250000000e-01, v3;
	v3 =	vld [tilespmem:s0+$0x100]  }
0x112: {  	[tilespmem:s0+$0x20] =	vst v2;
	v1 =	vmul.f32 $1.250000000e-01, v4;
	v4 =	vld [tilespmem:s0+$0x110]  }
0x113: {  	v8 =	vld [tilespmem:s0+$0x120];
	v2 =	vmul.f32 $1.250000000e-01, v5;
	[tilespmem:s0+$0x30] =	vst v0  }
0x114: {  	v5 =	vmul.f32 $1.250000000e-01, v6;
	[tilespmem:s0+$0x80] =	vst v1;
	v0 =	vld [tilespmem:s0+$0x130]  }
0x115: {  	v6 =	vmul.f32 $1.250000000e-01, v7;
	[tilespmem:s0+$0x90] =	vst v2;
	v1 =	vld [tilespmem:s0+$0x180]  }
0x116: {  	[tilespmem:s0+$0xA0] =	vst v5;
	v2 =	vld [tilespmem:s0+$0x190];
	v7 =	vmul.f32 $1.250000000e-01, v3  }
0x117: {  	[tilespmem:s0+$0xB0] =	vst v6;
	v3 =	vld [tilespmem:s0+$0x1A0];
	v5 =	vmul.f32 $1.250000000e-01, v4  }
0x118: {  	s6 =	simm.s32 $0x0;
	s10 =	simm.s32 $0xA600;
	v6 =	vmul.f32 $1.250000000e-01, v8;
	v4 =	vld [tilespmem:s0+$0x0];
	[tilespmem:s0+$0x100] =	vst v7  }
.LBB2_14:
0x119: {  	v7 =	vld [tilespmem:s10+$0x1B0];
	s6 =	sadd.s32 $0x4, s6;
	[tilespmem:s0+$0x110] =	vst v5;
	v0 =	vmul.f32 $1.250000000e-01, v0  }
0x11a: {  	v5 =	vld [tilespmem:s10+$0x10];
	p0 =	slt.u32 s6, $0x7C;
	[tilespmem:s0+$0x120] =	vst v6;
	v1 =	vmul.f32 $1.250000000e-01, v1  }
0x11b: {  	v6 =	vld [tilespmem:s10+$0x20];
	[tilespmem:s0+$0x130] =	vst v0;
	v0 =	vmul.f32 $1.250000000e-01, v2  }
0x11c: {  	v2 =	vld [tilespmem:s10+$0x30];
	[tilespmem:s0+$0x180] =	vst v1;
	v1 =	vmul.f32 $1.250000000e-01, v3  }
0x11d: {  	v3 =	vld [tilespmem:s10+$0x80];
	v4 =	vmul.f32 $1.250000000e-01, v4;
	[tilespmem:s0+$0x190] =	vst v0  }
0x11e: {  	v0 =	vld [tilespmem:s10+$0x90];
	v7 =	vmul.f32 $1.250000000e-01, v7;
	[tilespmem:s0+$0x1A0] =	vst v1  }
0x11f: {  	v1 =	vmul.f32 $1.250000000e-01, v5;
	v5 =	vld [tilespmem:s10+$0xA0];
	[tilespmem:s0+$0x0] =	vst v4;
	s0 =	smov.u32 s10  }
0x120: {  	v4 =	vmul.f32 $1.250000000e-01, v6;
	v6 =	vld [tilespmem:s10+$0xB0];
	[tilespmem:s10+$0x1B0] =	vst v7  }
0x121: {  	[tilespmem:s10+$0x10] =	vst v1;
	v1 =	vmul.f32 $1.250000000e-01, v2;
	v2 =	vld [tilespmem:s10+$0x100]  }
0x122: {  	[tilespmem:s10+$0x20] =	vst v4;
	v3 =	vmul.f32 $1.250000000e-01, v3;
	v4 =	vld [tilespmem:s10+$0x110]  }
0x123: {  	[tilespmem:s10+$0x30] =	vst v1;
	v1 =	vmul.f32 $1.250000000e-01, v0;
	v7 =	vld [tilespmem:s10+$0x120]  }
.Ltmp6:
0x124: {  	[tilespmem:s10+$0x80] =	vst v3;
	v3 =	vmul.f32 $1.250000000e-01, v5;
	v0 =	vld [tilespmem:s10+$0x130];
	(pc) =	sbr.rel @p0 .LBB2_14-.Ltmp6, $4  }
0x125: {  	[tilespmem:s10+$0x90] =	vst v1;
	v5 =	vmul.f32 $1.250000000e-01, v6;
	v1 =	vld [tilespmem:s10+$0x180]  }
0x126: {  	[tilespmem:s10+$0xA0] =	vst v3;
	v6 =	vmul.f32 $1.250000000e-01, v2;
	v2 =	vld [tilespmem:s10+$0x190]  }
0x127: {  	[tilespmem:s10+$0xB0] =	vst v5;
	v5 =	vmul.f32 $1.250000000e-01, v4;
	v3 =	vld [tilespmem:s10+$0x1A0]  }
0x128: {  	s10 =	sadd.s32 $0x200, s10;
	v4 =	vld [tilespmem:s0+$0x0];
	[tilespmem:s0+$0x100] =	vst v6;
	v6 =	vmul.f32 $1.250000000e-01, v7  }
0x129: {  	[tilespmem:s0+$0x110] =	vst v5;
	v0 =	vmul.f32 $1.250000000e-01, v0  }
0x12a: {  	[tilespmem:s0+$0x120] =	vst v6;
	v1 =	vmul.f32 $1.250000000e-01, v1  }
0x12b: {  	[tilespmem:s0+$0x130] =	vst v0;
	v0 =	vmul.f32 $1.250000000e-01, v2  }
0x12c: {  	[tilespmem:s0+$0x180] =	vst v1;
	v1 =	vmul.f32 $1.250000000e-01, v3  }
0x12d: {  	v2 =	vmul.f32 $1.250000000e-01, v4;
	[tilespmem:s0+$0x190] =	vst v0  }
0x12e: {  	[tilespmem:s0+$0x1A0] =	vst v1  }
0x12f: {  	[tilespmem:s0+$0x0] =	vst v2  }
0x130: {  	s0 =	rddreg [dreg:$0x5]  }
0x131: {  	[hbm4b:s0+s2] =	stream.linear.scatter [tilespmem:s18], [sflag:$0x6], $0x4000, $0x38;
	[tilespmem:$0x16400] =	vst v63  }
0x132: {  	_ =	swait.ge [sflag:s28], $0x4000  }
0x133: {  	[sflag:s28] =	ssyncset.done $0x0  }
0x134: {  	s0 =	simm.s32 $0xE400;
	[sflag:s28] =	ssyncadd.s32 $0xFFFFC000  }
0x135: {  	v0 =	vld [tilespmem:s0+$0x1B0]  }
0x136: {  	v1 =	vld [tilespmem:s0+$0x10]  }
0x137: {  	v2 =	vld [tilespmem:s0+$0x20]  }
0x138: {  	v3 =	vld [tilespmem:s0+$0x30]  }
0x139: {  	v4 =	vld [tilespmem:s0+$0x80]  }
0x13a: {  	v5 =	vld [tilespmem:s0+$0x90];
	v0 =	vmul.f32 $1.250000000e-01, v0  }
0x13b: {  	v6 =	vld [tilespmem:s0+$0xA0];
	v1 =	vmul.f32 $1.250000000e-01, v1  }
0x13c: {  	v7 =	vld [tilespmem:s0+$0xB0];
	v2 =	vmul.f32 $1.250000000e-01, v2;
	[tilespmem:s0+$0x1B0] =	vst v0  }
0x13d: {  	[tilespmem:s0+$0x10] =	vst v1;
	v0 =	vmul.f32 $1.250000000e-01, v3;
	v3 =	vld [tilespmem:s0+$0x100]  }
0x13e: {  	[tilespmem:s0+$0x20] =	vst v2;
	v1 =	vmul.f32 $1.250000000e-01, v4;
	v4 =	vld [tilespmem:s0+$0x110]  }
0x13f: {  	v8 =	vld [tilespmem:s0+$0x120];
	v2 =	vmul.f32 $1.250000000e-01, v5;
	[tilespmem:s0+$0x30] =	vst v0  }
0x140: {  	v5 =	vmul.f32 $1.250000000e-01, v6;
	[tilespmem:s0+$0x80] =	vst v1;
	v0 =	vld [tilespmem:s0+$0x130]  }
0x141: {  	v6 =	vmul.f32 $1.250000000e-01, v7;
	[tilespmem:s0+$0x90] =	vst v2;
	v1 =	vld [tilespmem:s0+$0x180]  }
0x142: {  	[tilespmem:s0+$0xA0] =	vst v5;
	v2 =	vld [tilespmem:s0+$0x190];
	v7 =	vmul.f32 $1.250000000e-01, v3  }
0x143: {  	[tilespmem:s0+$0xB0] =	vst v6;
	v3 =	vld [tilespmem:s0+$0x1A0];
	v5 =	vmul.f32 $1.250000000e-01, v4  }
0x144: {  	s6 =	simm.s32 $0x0;
	s10 =	simm.s32 $0xE600;
	v6 =	vmul.f32 $1.250000000e-01, v8;
	v4 =	vld [tilespmem:s0+$0x0];
	[tilespmem:s0+$0x100] =	vst v7  }
.LBB2_16:
0x145: {  	v7 =	vld [tilespmem:s10+$0x1B0];
	s6 =	sadd.s32 $0x4, s6;
	[tilespmem:s0+$0x110] =	vst v5;
	v0 =	vmul.f32 $1.250000000e-01, v0  }
0x146: {  	v5 =	vld [tilespmem:s10+$0x10];
	p0 =	slt.u32 s6, $0x7C;
	[tilespmem:s0+$0x120] =	vst v6;
	v1 =	vmul.f32 $1.250000000e-01, v1  }
0x147: {  	v6 =	vld [tilespmem:s10+$0x20];
	[tilespmem:s0+$0x130] =	vst v0;
	v0 =	vmul.f32 $1.250000000e-01, v2  }
0x148: {  	v2 =	vld [tilespmem:s10+$0x30];
	[tilespmem:s0+$0x180] =	vst v1;
	v1 =	vmul.f32 $1.250000000e-01, v3  }
0x149: {  	v3 =	vld [tilespmem:s10+$0x80];
	v4 =	vmul.f32 $1.250000000e-01, v4;
	[tilespmem:s0+$0x190] =	vst v0  }
0x14a: {  	v0 =	vld [tilespmem:s10+$0x90];
	v7 =	vmul.f32 $1.250000000e-01, v7;
	[tilespmem:s0+$0x1A0] =	vst v1  }
0x14b: {  	v1 =	vmul.f32 $1.250000000e-01, v5;
	v5 =	vld [tilespmem:s10+$0xA0];
	[tilespmem:s0+$0x0] =	vst v4;
	s0 =	smov.u32 s10  }
0x14c: {  	v4 =	vmul.f32 $1.250000000e-01, v6;
	v6 =	vld [tilespmem:s10+$0xB0];
	[tilespmem:s10+$0x1B0] =	vst v7  }
0x14d: {  	[tilespmem:s10+$0x10] =	vst v1;
	v1 =	vmul.f32 $1.250000000e-01, v2;
	v2 =	vld [tilespmem:s10+$0x100]  }
0x14e: {  	[tilespmem:s10+$0x20] =	vst v4;
	v3 =	vmul.f32 $1.250000000e-01, v3;
	v4 =	vld [tilespmem:s10+$0x110]  }
0x14f: {  	[tilespmem:s10+$0x30] =	vst v1;
	v1 =	vmul.f32 $1.250000000e-01, v0;
	v7 =	vld [tilespmem:s10+$0x120]  }
.Ltmp7:
0x150: {  	[tilespmem:s10+$0x80] =	vst v3;
	v3 =	vmul.f32 $1.250000000e-01, v5;
	v0 =	vld [tilespmem:s10+$0x130];
	(pc) =	sbr.rel @p0 .LBB2_16-.Ltmp7, $4  }
0x151: {  	[tilespmem:s10+$0x90] =	vst v1;
	v5 =	vmul.f32 $1.250000000e-01, v6;
	v1 =	vld [tilespmem:s10+$0x180]  }
0x152: {  	[tilespmem:s10+$0xA0] =	vst v3;
	v6 =	vmul.f32 $1.250000000e-01, v2;
	v2 =	vld [tilespmem:s10+$0x190]  }
0x153: {  	[tilespmem:s10+$0xB0] =	vst v5;
	v5 =	vmul.f32 $1.250000000e-01, v4;
	v3 =	vld [tilespmem:s10+$0x1A0]  }
0x154: {  	s10 =	sadd.s32 $0x200, s10;
	v4 =	vld [tilespmem:s0+$0x0];
	[tilespmem:s0+$0x100] =	vst v6;
	v6 =	vmul.f32 $1.250000000e-01, v7  }
0x155: {  	[tilespmem:s0+$0x110] =	vst v5;
	v0 =	vmul.f32 $1.250000000e-01, v0  }
0x156: {  	[tilespmem:s0+$0x120] =	vst v6;
	v1 =	vmul.f32 $1.250000000e-01, v1  }
0x157: {  	[tilespmem:s0+$0x130] =	vst v0;
	v0 =	vmul.f32 $1.250000000e-01, v2  }
0x158: {  	[tilespmem:s0+$0x180] =	vst v1;
	v1 =	vmul.f32 $1.250000000e-01, v3  }
0x159: {  	v2 =	vmul.f32 $1.250000000e-01, v4;
	[tilespmem:s0+$0x190] =	vst v0  }
0x15a: {  	[tilespmem:s0+$0x1A0] =	vst v1  }
0x15b: {  	[tilespmem:s0+$0x0] =	vst v2  }
0x15c: {  	[hbm4b:s12+s2] =	stream.linear.scatter [tilespmem:s20], [sflag:$0x7], $0x4000, $0x38;
	[tilespmem:$0x16400] =	vst v63  }
0x15d: {  	_ =	swait.ge [sflag:s30], $0x4000  }
0x15e: {  	[sflag:s30] =	ssyncset.done $0x0  }
0x15f: {  	s0 =	simm.s32 $0x12400;
	[sflag:s30] =	ssyncadd.s32 $0xFFFFC000  }
0x160: {  	v0 =	vld [tilespmem:s0+$0x1B0]  }
0x161: {  	v1 =	vld [tilespmem:s0+$0x10]  }
0x162: {  	v2 =	vld [tilespmem:s0+$0x20]  }
0x163: {  	v3 =	vld [tilespmem:s0+$0x30]  }
0x164: {  	v4 =	vld [tilespmem:s0+$0x80]  }
0x165: {  	v5 =	vld [tilespmem:s0+$0x90];
	v0 =	vmul.f32 $1.250000000e-01, v0  }
0x166: {  	v6 =	vld [tilespmem:s0+$0xA0];
	v1 =	vmul.f32 $1.250000000e-01, v1  }
0x167: {  	v7 =	vld [tilespmem:s0+$0xB0];
	v2 =	vmul.f32 $1.250000000e-01, v2;
	[tilespmem:s0+$0x1B0] =	vst v0  }
0x168: {  	[tilespmem:s0+$0x10] =	vst v1;
	v0 =	vmul.f32 $1.250000000e-01, v3;
	v3 =	vld [tilespmem:s0+$0x100]  }
0x169: {  	[tilespmem:s0+$0x20] =	vst v2;
	v1 =	vmul.f32 $1.250000000e-01, v4;
	v4 =	vld [tilespmem:s0+$0x110]  }
0x16a: {  	v8 =	vld [tilespmem:s0+$0x120];
	v2 =	vmul.f32 $1.250000000e-01, v5;
	[tilespmem:s0+$0x30] =	vst v0  }
0x16b: {  	v5 =	vmul.f32 $1.250000000e-01, v6;
	[tilespmem:s0+$0x80] =	vst v1;
	v0 =	vld [tilespmem:s0+$0x130]  }
0x16c: {  	v6 =	vmul.f32 $1.250000000e-01, v7;
	[tilespmem:s0+$0x90] =	vst v2;
	v1 =	vld [tilespmem:s0+$0x180]  }
0x16d: {  	[tilespmem:s0+$0xA0] =	vst v5;
	v2 =	vld [tilespmem:s0+$0x190];
	v7 =	vmul.f32 $1.250000000e-01, v3  }
0x16e: {  	[tilespmem:s0+$0xB0] =	vst v6;
	v3 =	vld [tilespmem:s0+$0x1A0];
	v5 =	vmul.f32 $1.250000000e-01, v4  }
0x16f: {  	s6 =	simm.s32 $0x0;
	s10 =	simm.s32 $0x12600;
	v6 =	vmul.f32 $1.250000000e-01, v8;
	v4 =	vld [tilespmem:s0+$0x0];
	[tilespmem:s0+$0x100] =	vst v7  }
.LBB2_18:
0x170: {  	v7 =	vld [tilespmem:s10+$0x1B0];
	s6 =	sadd.s32 $0x4, s6;
	[tilespmem:s0+$0x110] =	vst v5;
	v0 =	vmul.f32 $1.250000000e-01, v0  }
0x171: {  	v5 =	vld [tilespmem:s10+$0x10];
	p0 =	slt.u32 s6, $0x7C;
	[tilespmem:s0+$0x120] =	vst v6;
	v1 =	vmul.f32 $1.250000000e-01, v1  }
0x172: {  	v6 =	vld [tilespmem:s10+$0x20];
	[tilespmem:s0+$0x130] =	vst v0;
	v0 =	vmul.f32 $1.250000000e-01, v2  }
0x173: {  	v2 =	vld [tilespmem:s10+$0x30];
	[tilespmem:s0+$0x180] =	vst v1;
	v1 =	vmul.f32 $1.250000000e-01, v3  }
0x174: {  	v3 =	vld [tilespmem:s10+$0x80];
	v4 =	vmul.f32 $1.250000000e-01, v4;
	[tilespmem:s0+$0x190] =	vst v0  }
0x175: {  	v0 =	vld [tilespmem:s10+$0x90];
	v7 =	vmul.f32 $1.250000000e-01, v7;
	[tilespmem:s0+$0x1A0] =	vst v1  }
0x176: {  	v1 =	vmul.f32 $1.250000000e-01, v5;
	v5 =	vld [tilespmem:s10+$0xA0];
	[tilespmem:s0+$0x0] =	vst v4;
	s0 =	smov.u32 s10  }
0x177: {  	v4 =	vmul.f32 $1.250000000e-01, v6;
	v6 =	vld [tilespmem:s10+$0xB0];
	[tilespmem:s10+$0x1B0] =	vst v7  }
0x178: {  	[tilespmem:s10+$0x10] =	vst v1;
	v1 =	vmul.f32 $1.250000000e-01, v2;
	v2 =	vld [tilespmem:s10+$0x100]  }
0x179: {  	[tilespmem:s10+$0x20] =	vst v4;
	v3 =	vmul.f32 $1.250000000e-01, v3;
	v4 =	vld [tilespmem:s10+$0x110]  }
0x17a: {  	[tilespmem:s10+$0x30] =	vst v1;
	v1 =	vmul.f32 $1.250000000e-01, v0;
	v7 =	vld [tilespmem:s10+$0x120]  }
.Ltmp8:
0x17b: {  	[tilespmem:s10+$0x80] =	vst v3;
	v3 =	vmul.f32 $1.250000000e-01, v5;
	v0 =	vld [tilespmem:s10+$0x130];
	(pc) =	sbr.rel @p0 .LBB2_18-.Ltmp8, $4  }
0x17c: {  	[tilespmem:s10+$0x90] =	vst v1;
	v5 =	vmul.f32 $1.250000000e-01, v6;
	v1 =	vld [tilespmem:s10+$0x180]  }
0x17d: {  	[tilespmem:s10+$0xA0] =	vst v3;
	v6 =	vmul.f32 $1.250000000e-01, v2;
	v2 =	vld [tilespmem:s10+$0x190]  }
0x17e: {  	[tilespmem:s10+$0xB0] =	vst v5;
	v5 =	vmul.f32 $1.250000000e-01, v4;
	v3 =	vld [tilespmem:s10+$0x1A0]  }
0x17f: {  	s10 =	sadd.s32 $0x200, s10;
	v4 =	vld [tilespmem:s0+$0x0];
	[tilespmem:s0+$0x100] =	vst v6;
	v6 =	vmul.f32 $1.250000000e-01, v7  }
0x180: {  	[tilespmem:s0+$0x110] =	vst v5;
	v0 =	vmul.f32 $1.250000000e-01, v0  }
0x181: {  	[tilespmem:s0+$0x120] =	vst v6;
	v1 =	vmul.f32 $1.250000000e-01, v1  }
0x182: {  	[tilespmem:s0+$0x130] =	vst v0;
	v61 =	vmul.f32 $1.250000000e-01, v2  }
0x183: {  	[tilespmem:s0+$0x180] =	vst v1;
	v62 =	vmul.f32 $1.250000000e-01, v3  }
0x184: {  	v63 =	vmul.f32 $1.250000000e-01, v4;
	[tilespmem:s0+$0x190] =	vst v61  }
0x185: {  	[tilespmem:s0+$0x1A0] =	vst v62  }
0x186: {  	[tilespmem:s0+$0x0] =	vst v63  }
0x187: {  	[hbm4b:s13+s2] =	stream.linear.scatter [tilespmem:s22], [sflag:$0x8], $0x4000, $0x38;
	[tilespmem:$0x16400] =	vst v63  }
0x188: {  	_ =	swait.ge [sflag:s24], $0x4000  }
0x189: {  	[sflag:s24] =	ssyncset.done $0x0  }
0x18a: {  	[sflag:s24] =	ssyncadd.s32 $0xFFFFC000  }
0x18b: {  	_ =	swait.ge [sflag:s26], $0x4000  }
0x18c: {  	[sflag:s26] =	ssyncset.done $0x0  }
0x18d: {  	s1 =	sadd.s32 $0x1, s1;
	[sflag:s26] =	ssyncadd.s32 $0xFFFFC000  }
0x18e: {  	p0 =	sne.s32 s1, s14;
	_ =	swait.ge [sflag:s29], $0x4000  }
.Ltmp9:
0x18f: {  	[sflag:s29] =	ssyncset.done $0x0;
	(pc) =	sbr.rel @p0 .LBB2_1-.Ltmp9, $4  }
0x190: {  	[sflag:s29] =	ssyncadd.s32 $0xFFFFC000  }
0x191: {  	_ =	swait.ge [sflag:s31], $0x4000  }
0x192: {  	[sflag:s31] =	ssyncset.done $0x0  }
0x193: {  	[sflag:s31] =	ssyncadd.s32 $0xFFFFC000  }
0x194: {  	_ =	sfence.sel $0x180000  }
0x195: {  	[bflag:$0x0] =	sbarrier.arrive $0xFFFF  }
0x196: {  	_ =	strace $0x90000047  }
0x197: {  	s0 =	stileid.u32;
	[bflag:$0x2] =	sbarrier.arrive $0xFFFF  }
0x198: {  	p0 =	sne.s32 s0, $0x0;
	s0 =	rddreg [dreg:$0x2]  }
0x199: {  	s0 =	sadd.s32 @!p0 $0x100000, s0  }
0x19a: {  	[sflag:s0] =	ssyncadd.tile.s32 @!p0 $0x1;
	_ =	shalt  }
.Lfunc_end2:
_tile_overlayer_lowered:
.L_overlay_start_2:
0x19b: {  	(tag) =	ssettag $0x2  }
0x19c: {  	s0 =	rddreg [dreg:$0x0];
	s2 =	stileid.u32  }
0x19d: {  	s1 =	rddreg [dreg:$0x1];
	p0 =	sne.s32 s2, $0x0  }
0x19e: {  	s3 =	rddreg [dreg:$0x2];
	[bflag:$0x3] =	sbarrier.arrive $0xFFFF;
	s2 =	simm.s32 @!p0 $0x1C09  }
0x19f: {  	[timem:s3], [sflag:s2] =	dma.local @!p0 [hbm:s0], s1  }
0x1a0: {  	s0 =	simm.s32 @!p0 $0x9  }
0x1a1: {  	_ =	swait.ge @!p0 [sflag:s0], s1  }
0x1a2: {  	s1 =	ssub.s32 @!p0 $0x0, s1;
	[sflag:s0] =	ssyncset.done @!p0 $0x0  }
0x1a3: {  	[sflag:s0] =	ssyncadd.s32 @!p0 s1  }
0x1a4: {  	[bflag:$0x3] =	sbarrier.arrive $0xFFFF  }
0x1a5: {  	_ =	shalt  }

// kernel: sparse-core-data-format-call.cloned.1.call-start
scs
called_computation_lowered:
.L_overlay_start_0:
0x0: {  	s2 =	sld [smem:$0x3FD9]  }
0x1: {  	s3 =	sld [smem:$0x3FFE];
	_ =	sdelay $0x1  }
0x2: {  	s1 =	srdreg.scid  }
0x3: {  	s0 =	sand.u32 $0x1, s1  }
0x4: {  	s18 =	sshll.u32 s0, $0xA;
	s2 =	sadd.s32 s3, s2  }
0x5: {  	s2 =	sadd.s32 s2, s18  }
0x6: {  	[smem:$0x3FC6] =	sst s2  }
0x7: {  	_ = 	snop  }
0x8: {  	s2 =	sld [smem:$0x3FD0];
	(tm) =	ssettm $0x1  }
0x9: {  	s19 =	sld [smem:$0x3FFB];
	_ =	sdelay $0x3  }
0xa: {  	_ =	strace s19  }
0xb: {  	s3 =	sld [smem:$0x3FFC];
	_ =	sdelay $0x3  }
0xc: {  	_ =	strace s3  }
0xd: {  	s3 =	sld [smem:$0x3FFD];
	_ =	sdelay $0x3  }
0xe: {  	_ =	strace s3  }
0xf: {  	_ =	strace $0x8FFFFFFF  }
0x10: {  	s20 =	sld [smem:$0x3FDB];
	_ =	sdelay $0x1  }
0x11: {  	s4 =	simm.s32 $_scs_section_size  }
0x12: {  	s5 =	simm.s32 $_size__tile_overlayer_lowered;
	s6 =	simm.s32 $_tile_overlayer_lowered  }
0x13: {  	s23 =	simm.s32 $0x1BFF;
	s22 =	sshll.u32 s6, $0x1;
	s3 =	sadd.s32 s4, s20  }
0x14: {  	s7 =	simm.s32 $0x0;
	s21 =	sshll.u32 s5, $0x1;
	s5 =	sadd.s32 s22, s3  }
0x15: {  	[timem:s7], [sflag:s23] =	dma.local [hbm:s5], s21  }
0x16: {  	_ =	swait.ge [sflag:s23], s21  }
0x17: {  	s4 =	ssub.s32 $0x0, s21;
	[sflag:s23] =	ssyncset.done $0x0  }
0x18: {  	[sflag:s23] =	ssyncadd.s32 s4;
	_ =	sdelay $0x1  }
0x19: {  	s24 =	simm.s32 $0x1B8B  }
0x1a: {  	_ =	swait.ge [sflag:s24], $0x1  }
0x1b: {  	[sflag:s24] =	ssyncset.done $0x0  }
0x1c: {  	s26 =	simm.s32 $0x1B8E;
	s25 =	sld [smem:$0x3FFE];
	[sflag:s24] =	ssyncadd.s32 $0xFFFFFFFF  }
0x1d: {  	s27 =	simm.s32 $execute0_lowered;
	[smem:$0x3FD2] =	sst s26  }
0x1e: {  	s5 =	sshll.u32 s27, $0x1;
	_ =	strace $0x80000049;
	[dreg:$0x1] =	wrdreg $0xFFFFFFFF  }
0x1f: {  	s28 =	simm.s32 $_size_execute0_lowered;
	s3 =	sadd.s32 s3, s5;
	[dreg:$0x0] =	wrdreg $0x0  }
0x20: {  	s5 =	sshll.u32 s28, $0x1;
	[dreg:$0x2] =	wrdreg s3  }
0x21: {  	[dreg:$0x3] =	wrdreg s5  }
0x22: {  	[dreg:$0x4] =	wrdreg $0xC0  }
0x23: {  	_ =	task [dreg:s7], $0x5FFFF  }
0x24: {  	[dreg:$0x1] =	wrdreg $0xFFFFFFFF  }
0x25: {  	[dreg:$0x0] =	wrdreg $0x60  }
0x26: {  	[dreg:$0x2] =	wrdreg s25  }
0x27: {  	[dreg:$0x3] =	wrdreg s2  }
0x28: {  	[dreg:$0x4] =	wrdreg $0x9  }
0x29: {  	_ =	task.clear_ibuf [dreg:s7], $0x5FFFF;
	_ =	strace $0x90000049  }
0x2a: {  	s29 =	simm.s32 $0x9;
	_ =	strace $0x8000004B  }
0x2b: {  	_ =	swait.ge [sflag:s29], $0x1  }
0x2c: {  	[sflag:s29] =	ssyncadd.s32 $0xFFFFFFFF  }
0x2d: {  	_ =	strace $0x9000004B  }
0x2e: {  	_ =	sfence  }
0x2f: {  	s30 =	sld [smem:$0x0];
	_ =	sdelay $0x2  }
0x30: {  	s31 =	sshll.u32 s1, $0xD;
	s1 =	sshrl.u32 s1, $0x2  }
0x31: {  	s3 =	sand.u32 $0x4000, s31;
	s1 =	sadd.s32 s1, s30  }
0x32: {  	s0 =	sor.u32 s3, s0;
	s1 =	sshll.u32 s1, $0x11  }
0x33: {  	s0 =	sor.u32 s1, s0  }
0x34: {  	s0 =	sadd.s32 $0x8F2B, s0  }
0x35: {  	[sflag:s0] =	ssyncadd.remote.s32 $0x1  }
0x36: {  	_ =	sfence.sel $0xFFFF  }
0x37: {  	[dreg:$0x0] =	wrdreg $0xFFFFFFFF;
	(pc) =	sbr.abs _section_cstart, $3  }
0x38: {  	[dreg:$0x1] =	wrdreg $0xFFFFFFFF  }
0x39: {  	_ =	task.clear_ibuf [dreg:s7], $0x2FFFF;
	_ =	strace $0x9FFFFFFF  }
0x3a: {  	(tm) =	ssettm $0x7FFFFFFF  }
0x3b: {  	_ =	shalt  }
tec
execute0_lowered:
.L_overlay_start_1:
0x0: {  	(tag) =	ssettag $0x1  }
0x1: {  	s0 =	srdreg.scid  }
0x2: {  	s1 =	sshll.u32 s0, $0x4  }
0x3: {  	s0 =	stileid.u32;
	s1 =	sand.u32 $0x10, s1  }
0x4: {  	s1 =	sor.u32 s0, s1  }
0x5: {  	s6 =	rddreg [dreg:$0x0];
	s4 =	simm.s32 $0x1;
	s2 =	sshll.u32 s1, $0x7  }
0x6: {  	s7 =	simm.s32 $0x2;
	s12 =	simm.s32 $0x0;
	s1 =	ssub.s32 $0x1000, s2  }
0x7: {  	s8 =	simm.s32 $0x8000;
	s13 =	simm.s32 $0x0;
	s3 =	sand.u32 $0xF80, s1  }
0x8: {  	s9 =	simm.s32 $0x0;
	s5 =	sshrl.u32 s1, $0xC;
	p0 =	sne.s32 s3, $0x0  }
.Ltmp0:
0x9: {  	s1 =	rddreg [dreg:$0x2];
	s4 =	simm.s32 @!p0 $0x0;
	(pc) =	sbr.rel .LBB1_1-.Ltmp0, $4  }
0xa: {  	s11 =	simm.s32 $0x0;
	s3 =	rddreg [dreg:$0x1];
	s5 =	sadd.s32 s4, s5  }
0xb: {  	_ =	strace $0x8000004A;
	s4 =	simm.s32 $0x1;
	s5 =	smul.u32 $0xC8, s5  }
0xc: {  	s6 =	sadd.s32 $0xA00, s6;
	s10 =	smov.u32 s2;
	[sflag:s4] =	ssyncpa.u1 $0x0  }
0xd: {  	p0 =	por $0x0, $0x0;
	[sflag:s7] =	ssyncpa.u1 $0x0;
	s7 =	sor.u32 $0x1, s5  }
.LBB1_4:
0xe: {  	s16 =	sshll.u32 s13, $0x3;
	s17 =	sand.u32 $0x78, s13  }
0xf: {  	s30 =	sand.u32 $0x7E00, s13;
	s12 =	sshll.u32 s12, $0xF;
	s16 =	sand.u32 $0xC00, s16  }
0x10: {  	[tilespmem:s15+$0x810 ss:$0x81] =	vst.msk $0xffff, v2;
	s31 =	sand.u32 $0x7, s13;
	s16 =	sor.u32 s17, s16;
	s17 =	sadd.s32 s3, s30  }
0x11: {  	[tilespmem:s15+$0x1020 ss:$0x81] =	vst.msk $0xffff, v0;
	s13 =	sshll.u32 s31, $0x12;
	s12 =	sadd.s32 s12, s17;
	s16 =	sshrl.u32 s16, $0x3  }
0x12: {  	[tilespmem:s15+$0x0 ss:$0x81] =	vst.msk $0xffff, v1;
	s13 =	sor.u32 $0x400, s13;
	s12 =	sadd.s32 s16, s12  }
0x13: {  	[hbm4b:s12+s13] =	stream.strided.scatter [tilespmem:s14], [sflag:$0x2], $0x2000, s8, s13, $0x20;
	[tilespmem:$0x8080] =	vst v63  }
.LBB1_5:
0x14: {  	s14 =	sadd.s32 $0x1, s9  }
0x15: {  	s12 =	sadd.s32 $0x1000, s10;
	s16 =	smov.u32 s10;
	p2 =	sgt.s32 s14, $0xC7  }
0x16: {  	s16 =	smov.u32 @p2 s12  }
0x17: {  	s14 =	simm.s32 @p2 $0x0;
	p2 =	sgt.s32 s16, $0xFFF  }
0x18: {  	s16 =	smov.u32 @p2 s2;
	p2 =	sne.s32 s11, s7  }
.Ltmp1:
0x19: {  	p1 =	slt.u32 s11, $0x2;
	(pc) =	sbr.rel @!p2 .LBB1_6-.Ltmp1, $4  }
0x1a: {  	s15 =	simm.s32 @!p1 $0x2  }
0x1b: {  	s13 =	smov.u32 s10;
	p0 =	por !p0, !p0;
	_ =	swait.ge @!p1 [sflag:s15], $0x2000  }
0x1c: {  	s12 =	smov.u32 s9;
	[sflag:s15] =	ssyncset.done @!p1 $0x0;
	s9 =	smov.u32 s14  }
0x1d: {  	s11 =	sadd.s32 $0x1, s11;
	[sflag:s15] =	ssyncadd.s32 @!p1 $0xFFFFE000;
	s10 =	smov.u32 s16  }
.LBB1_1:
0x1e: {  	p1 =	sge.u32 s11, s5  }
0x1f: {  	s14 =	sand.u32 @!p1 $0x1FFFFFF, s9  }
0x20: {  	s15 =	smulhi.u32 @!p1 $0x147AE15, s14;
	_ =	sdelay $0x1  }
0x21: {  	s15 =	smul.u32 @!p1 $0xC8, s15  }
0x22: {  	s16 =	sxor.u32 @!p1 $0xFFFFFFFF, s11;
	s17 =	smul.u32 @!p1 $0xC80, s10  }
0x23: {  	s31 =	sadd.s32 $0xFFFFFFFF, s11;
	s16 =	sshll.u32 @!p1 s16, $0xD;
	s14 =	ssub.s32 @!p1 s14, s15  }
0x24: {  	s15 =	sand.u32 @!p1 $0x2000, s16;
	s16 =	sadd.s32 @!p1 s6, s17;
	s14 =	sshll.u32 @!p1 s14, $0x4  }
0x25: {  	s17 =	simm.s32 @!p1 $0x6400;
	s14 =	sadd.s32 @!p1 s14, s16;
	s16 =	simm.s32 @!p1 $0x40  }
0x26: {  	[tilespmem:s15], [sflag:$0x1] =	stream.strided.gather @!p1 [hbm4b:s14+s16], $0x2000, s17, s16, $0x38;
	[tilespmem:$0x8080] =	vst v63  }
0x27: {  	p1 =	sge.u32 s31, s5  }
.Ltmp2:
0x28: {  	_ = 	snop;
	(pc) =	sbr.rel @p1 .LBB1_5-.Ltmp2, $1  }
0x29: {  	_ =	sdelay $0x3  }
0x2a: {  	s14 =	simm.s32 $0x1  }
0x2b: {  	_ =	swait.ge [sflag:s4], $0x2000;
	s14 =	simm.s32 @!p0 $0x0  }
0x2c: {  	[sflag:s4] =	ssyncset.done $0x0;
	s15 =	sshll.u32 s14, $0xD  }
0x2d: {  	[sflag:s4] =	ssyncadd.s32 $0xFFFFE000;
	s18 =	sor.u32 $0x20, s15  }
0x2e: {  	s14 =	smul.u32 $0x8100, s14;
	v3 =	vld [tilespmem:s18+$0x10]  }
0x2f: {  	s30 =	sand.u32 $0x1, s11;
	v2 =	vld [tilespmem:s18+$0xFFFFFFF0]  }
0x30: {  	s15 =	smul.u32 $0x8100, s30;
	s14 =	sshrl.u32 s14, $0x2;
	v0 =	vld [tilespmem:s18+$0x0]  }
0x31: {  	v1 =	vld [tilespmem:s18+$0xFFFFFFE0];
	s16 =	sor.u32 $0x4000, s14  }
0x32: {  	s31 =	sshrl.u32 s15, $0x2;
	s15 =	sadd.s32 $0x0, s16  }
0x33: {  	s17 =	simm.s32 $0x4;
	s18 =	sadd.s32 $0x40, s18;
	s14 =	sor.u32 $0x4000, s31;
	[tilespmem:s15+$0x1830 ss:$0x81] =	vst.msk $0xffff, v3  }
.LBB1_3:
0x34: {  	v3 =	vld [tilespmem:s18+$0x10];
	p1 =	sne.s32 s17, $0x1FC;
	[tilespmem:s15+$0x810 ss:$0x81] =	vst.msk $0xffff, v2;
	s19 =	smov.u32 s17;
	s17 =	sadd.s32 $0x4, s17  }
.Ltmp3:
0x35: {  	v2 =	vld [tilespmem:s18+$0xFFFFFFF0];
	[tilespmem:s15+$0x1020 ss:$0x81] =	vst.msk $0xffff, v0;
	(pc) =	sbr.rel @p1 .LBB1_3-.Ltmp3, $4  }
0x36: {  	v0 =	vld [tilespmem:s18+$0x0];
	[tilespmem:s15+$0x0 ss:$0x81] =	vst.msk $0xffff, v1  }
0x37: {  	s15 =	sshra.s32 s19, $0x2;
	v1 =	vld [tilespmem:s18+$0xFFFFFFE0]  }
0x38: {  	s15 =	sadd.s32 s15, s16  }
0x39: {  	s18 =	sadd.s32 $0x40, s18;
	[tilespmem:s15+$0x1830 ss:$0x81] =	vst.msk $0xffff, v3  }
.Ltmp4:
0x3a: {  	_ = 	snop;
	(pc) =	sbr.rel .LBB1_4-.Ltmp4, $1  }
0x3b: {  	_ =	sdelay $0x3  }
.LBB1_6:
0x3c: {  	_ =	sfence.sel $0x180000  }
0x3d: {  	s2 =	simm.s32 $0x1;
	[bflag:$0x0] =	sbarrier.arrive $0xFFFF  }
0x3e: {  	s31 =	simm.s32 $0x2;
	[sflag:s2] =	ssyncpa.u1 $0x1  }
0x3f: {  	[sflag:s31] =	ssyncpa.u1 $0x1  }
0x40: {  	p0 =	sne.s32 s0, $0x0;
	_ =	strace $0x9000004A  }
0x41: {  	s0 =	sadd.s32 @!p0 $0x100000, s1;
	[bflag:$0x2] =	sbarrier.arrive $0xFFFF  }
0x42: {  	[sflag:s0] =	ssyncadd.tile.s32 @!p0 $0x1;
	_ =	shalt  }
.Lfunc_end1:
_tile_overlayer_lowered:
.L_overlay_start_2:
0x43: {  	(tag) =	ssettag $0x2  }
0x44: {  	s0 =	rddreg [dreg:$0x0];
	s2 =	stileid.u32  }
0x45: {  	s1 =	rddreg [dreg:$0x1];
	p0 =	sne.s32 s2, $0x0  }
0x46: {  	s3 =	rddreg [dreg:$0x2];
	[bflag:$0x3] =	sbarrier.arrive $0xFFFF;
	s2 =	simm.s32 @!p0 $0x1C01  }
0x47: {  	[timem:s3], [sflag:s2] =	dma.local @!p0 [hbm:s0], s1  }
0x48: {  	s0 =	simm.s32 @!p0 $0x1  }
0x49: {  	_ =	swait.ge @!p0 [sflag:s0], s1  }
0x4a: {  	s1 =	ssub.s32 @!p0 $0x0, s1;
	[sflag:s0] =	ssyncset.done @!p0 $0x0  }
0x4b: {  	[sflag:s0] =	ssyncadd.s32 @!p0 s1  }
0x4c: {  	[bflag:$0x3] =	sbarrier.arrive $0xFFFF  }
0x4d: {  	_ =	shalt  }

</sc_bundles>
